<compile_context>
chip_gen: v7x
topology: tpu7x:2x2x1
jax: 0.10.2.dev20260603
libtpu: 0.0.44.dev20260713+nightly
codegen_flags: <defaults>
</compile_context>

<pallas_src>
import functools

import jax
import jax.numpy as jnp
from jax import lax
from jax.experimental import pallas as pl
from jax.experimental.pallas import tpu as pltpu
from jax.experimental.pallas import tpu_sc as plsc

_VOCAB = 1000
_VPAD = 1024
_ROWS_PER_BLOCK = 2048
_NSUB = 16


_LANES_PER_BLOCK = 2048


def _argmax_body(x0_ref, x1_ref, out_ref):
    _, vocab, bl = x0_ref.shape
    ids = lax.broadcasted_iota(jnp.int32, (vocab, bl), 0)
    for a, ref in enumerate((x0_ref, x1_ref)):
        xa = ref[0]
        m = jnp.max(xa, axis=0, keepdims=True)
        idx = jnp.min(jnp.where(xa == m, ids, vocab), axis=0)
        out_ref[pl.ds(a * bl, bl)] = idx


def _tc_argmax(utt_t):
    agents, vocab, batch = utt_t.shape
    nblk = batch // _LANES_PER_BLOCK
    blk = (1, vocab, _LANES_PER_BLOCK)
    out = pl.pallas_call(
        _argmax_body,
        grid=(nblk,),
        in_specs=[pl.BlockSpec(blk, lambda i: (0, 0, i)),
                  pl.BlockSpec(blk, lambda i: (1, 0, i))],
        out_specs=pl.BlockSpec((agents * _LANES_PER_BLOCK,), lambda i: (i,)),
        out_shape=jax.ShapeDtypeStruct((agents * batch,), jnp.int32),
        compiler_params=pltpu.CompilerParams(
            vmem_limit_bytes=100 * 1024 * 1024),
    )(utt_t, utt_t)
    return out


def _sc_bincount(indices, word_counts, idx_per_sub):
    mesh = plsc.VectorSubcoreMesh(core_axis_name="c", subcore_axis_name="s")
    stripe = _VPAD // _NSUB
    last = _NSUB - 1
    tail = _VOCAB - last * stripe

    @functools.partial(
        pl.kernel,
        mesh=mesh,
        out_type=jax.ShapeDtypeStruct((_VOCAB,), jnp.float32),
        compiler_params=pltpu.CompilerParams(
            needs_layout_passes=False, use_tc_tiling_on_sc=False),
        scratch_types=[
            pltpu.VMEM((idx_per_sub,), jnp.int32),
            pltpu.VMEM((16 * _VPAD,), jnp.float32),
            pltpu.VMEM((_VPAD,), jnp.float32),
            pltpu.VMEM((_NSUB, _VPAD), jnp.float32),
            pltpu.VMEM((stripe,), jnp.float32),
            pltpu.VMEM_SHARED((_NSUB, _VPAD), jnp.float32),
            pltpu.SemaphoreType.DMA,
        ],
    )
    def bincount(idx_hbm, wc_hbm, out_hbm, idx_v, hist2, hist1, parts, ostripe,
                 shared, sem):
        core = lax.axis_index("c")
        sub = lax.axis_index("s")

        @pl.when(core == 0)
        def _():
            cp = pltpu.make_async_copy(
                idx_hbm.at[pl.ds(sub * idx_per_sub, idx_per_sub)], idx_v, sem)
            cp.start()
            zeros16 = jnp.zeros((16,), jnp.float32)

            def zero_body(g, c):
                for u in range(8):
                    hist2[pl.ds((g * 8 + u) * 16, 16)] = zeros16
                return c
            lax.fori_loop(0, _VPAD // 8, zero_body, 0)
            cp.wait()

            lane = lax.iota(jnp.int32, 16) * _VPAD
            ones16 = jnp.full((16,), 1.0, jnp.float32)

            def scat_body(g, c):
                for u in range(4):
                    iv = idx_v[pl.ds((g * 4 + u) * 16, 16)]
                    plsc.addupdate_scatter(hist2, [lane + iv], ones16)
                return c
            lax.fori_loop(0, idx_per_sub // 64, scat_body, 0)

            def red_body(c, carry):
                acc = hist2[pl.ds(c * 16, 16)]
                for l in range(1, 16):
                    acc = acc + hist2[pl.ds(l * _VPAD + c * 16, 16)]
                hist1[pl.ds(c * 16, 16)] = acc
                return carry
            lax.fori_loop(0, _VPAD // 16, red_body, 0)

            pltpu.sync_copy(hist1, shared.at[sub])
            plsc.subcore_barrier()
            pltpu.sync_copy(shared, parts)

            @pl.when(sub != last)
            def _():
                pltpu.sync_copy(wc_hbm.at[pl.ds(sub * stripe, stripe)],
                                ostripe)

            @pl.when(sub == last)
            def _():
                ostripe[pl.ds(tail, 16)] = zeros16
                ostripe[pl.ds(stripe - 16, 16)] = zeros16
                pltpu.sync_copy(wc_hbm.at[pl.ds(last * stripe, tail)],
                                ostripe.at[pl.ds(0, tail)])

            def comb_body(r, carry):
                acc = ostripe[pl.ds(r * 16, 16)]
                for t in range(_NSUB):
                    acc = acc + parts[t, pl.ds(sub * stripe + r * 16, 16)]
                ostripe[pl.ds(r * 16, 16)] = acc
                return carry
            lax.fori_loop(0, stripe // 16, comb_body, 0)

            @pl.when(sub != last)
            def _():
                pltpu.sync_copy(ostripe,
                                out_hbm.at[pl.ds(sub * stripe, stripe)])

            @pl.when(sub == last)
            def _():
                pltpu.sync_copy(ostripe.at[pl.ds(0, tail)],
                                out_hbm.at[pl.ds(last * stripe, tail)])

    return bincount(indices, word_counts)


def kernel(utterances, word_counts):
    batch, agents, vocab = utterances.shape
    nrows = batch * agents
    utt_t = jnp.transpose(utterances, (1, 2, 0))
    indices = _tc_argmax(utt_t)
    return _sc_bincount(indices, word_counts, nrows // _NSUB)

# --- scband reference (transcript-rebuilt; emitter-appended) ---
"""Pipeline reference for scband-word-counting-module-28123445854739 (READ-ONLY COPY).

The authoritative reference and input builder live on the scoring server;
editing this copy changes nothing except your own understanding.
"""

import jax, jax.numpy as jnp
import numpy as np

BATCH = 16384
NUM_AGENTS = 2
VOCAB = 1000


def setup_inputs(seed: int = 0) -> dict:
    key = jax.random.key(seed)
    k1, _ = jax.random.split(key)
    utterances = jax.random.normal(k1, (BATCH, NUM_AGENTS, VOCAB), dtype=jnp.float32)
    # learned/buffer state: running word counts, initialized to zeros as in __init__
    word_counts = jnp.zeros((VOCAB,), dtype=jnp.float32)
    return {"utterances": utterances, "word_counts": word_counts}


def reference(utterances, word_counts):
    # _, indices = utterances.max(2)
    batch_size, num_agents, vocab_size = utterances.shape
    indices = jnp.argmax(utterances, axis=2)  # [batch, num_agents] int
    # indicator[_index] += 1 over every (batch, agent) pair == scatter-add histogram
    flat_idx = indices.reshape(-1)
    indicator = jnp.zeros((vocab_size,), dtype=word_counts.dtype).at[flat_idx].add(1.0)
    # self.word_counts = self.word_counts + indicator
    new_word_counts = word_counts + indicator
    return new_word_counts

if __name__ == "__main__":
    import jax
    _d = setup_inputs()
    print(jax.jit(kernel)(*tuple(_d.values())))

</pallas_src>

<mosaic_0001>
#map = affine_map<(d0, d1) -> (0)>
module attributes {stable_mosaic.version = 14 : i64} {
  func.func @bincount(%arg0: i32, %arg1: i32, %arg2: memref<32768xi32, #tpu.memory_space<hbm>>, %arg3: memref<1000xf32, #tpu.memory_space<hbm>>, %arg4: memref<1000xf32, #tpu.memory_space<hbm>>, %arg5: memref<2048xi32, #tpu.memory_space<vmem>>, %arg6: memref<16384xf32, #tpu.memory_space<vmem>>, %arg7: memref<1024xf32, #tpu.memory_space<vmem>>, %arg8: memref<16x1024xf32, #tpu.memory_space<vmem>>, %arg9: memref<64xf32, #tpu.memory_space<vmem>>, %arg10: memref<16x1024xf32, #tpu.memory_space<vmem_shared>>, %arg11: memref<!tpu.dma_semaphore, #tpu.memory_space<semaphore_mem>>) attributes {dimension_semantics = [#tpu.dimension_semantics<core_parallel>, #tpu.dimension_semantics<subcore_parallel>], iteration_bounds = array<i64: 2, 16>, scalar_prefetch = 0 : i64, scratch_operands = 7 : i64, tpu.core_type = #tpu.core_type<sc_vector_subcore>, window_params = [{transform_indices = #map}, {transform_indices = #map}, {transform_indices = #map}]} {
    %eq3A = arith.constant 0 : i32
    %eq3A_0 = arith.cmpi eq, %arg0, %eq3A : i32
    %convert_element_type3A = arith.extui %eq3A_0 : i1 to i32
    %cond3A = arith.constant 0 : i32
    %cond3A_1 = arith.cmpi ne, %convert_element_type3A, %cond3A : i32
    scf.if %cond3A_1 {
      %mul3A = arith.constant 2048 : i32
      %mul3A_2 = arith.muli %arg1, %mul3A : i32
      %dma_start3A = tpu.memref_slice %arg2[%mul3A_2] : memref<32768xi32, #tpu.memory_space<hbm>> -> memref<2048xi32, #tpu.memory_space<hbm>>
      %dma_start3A_3 = tpu.memref_slice %arg2[%mul3A_2] : memref<32768xi32, #tpu.memory_space<hbm>> -> memref<2048xi32, #tpu.memory_space<hbm>>
      tpu.enqueue_dma source(%dma_start3A_3 : memref<2048xi32, #tpu.memory_space<hbm>>) target(%arg5 : memref<2048xi32, #tpu.memory_space<vmem>>) target_semaphore(%arg11 : memref<!tpu.dma_semaphore, #tpu.memory_space<semaphore_mem>>)
      %broadcast_in_dim3A = arith.constant 0.000000e+00 : f32
      %broadcast_in_dim3A_4 = vector.broadcast %broadcast_in_dim3A : f32 to vector<16xf32>
      %scan3A = arith.constant 0 : i32
      %scan3A_5 = arith.constant 0 : i32
      %scan3A_6 = arith.constant 128 : i32
      %scan3A_7 = arith.addi %scan3A_5, %scan3A_6 : i32
      %scan3A_8 = arith.constant 1 : i32
      scf.for %scan3A_53 = %scan3A_5 to %scan3A_7 step %scan3A_8  : i32 {
        %mul3A_54 = arith.constant 8 : i32
        %mul3A_55 = arith.muli %scan3A_53, %mul3A_54 : i32
        %add3A = arith.constant 0 : i32
        %add3A_56 = arith.addi %mul3A_55, %add3A : i32
        %mul3A_57 = arith.constant 16 : i32
        %mul3A_58 = arith.muli %add3A_56, %mul3A_57 : i32
        %swap3A = arith.index_cast %mul3A_58 : i32 to index
        %swap3A_59 = tpu.vector_load %arg6[%swap3A] {strides = array<i32>} : memref<16384xf32, #tpu.memory_space<vmem>>, vector<16xf32>,
        tpu.vector_store %arg6[%swap3A], %broadcast_in_dim3A_4 {strides = array<i32>} : memref<16384xf32, #tpu.memory_space<vmem>>, vector<16xf32>,
        %mul3A_60 = arith.constant 8 : i32
        %mul3A_61 = arith.muli %scan3A_53, %mul3A_60 : i32
        %add3A_62 = arith.constant 1 : i32
        %add3A_63 = arith.addi %mul3A_61, %add3A_62 : i32
        %mul3A_64 = arith.constant 16 : i32
        %mul3A_65 = arith.muli %add3A_63, %mul3A_64 : i32
        %swap3A_66 = arith.index_cast %mul3A_65 : i32 to index
        %swap3A_67 = tpu.vector_load %arg6[%swap3A_66] {strides = array<i32>} : memref<16384xf32, #tpu.memory_space<vmem>>, vector<16xf32>,
        tpu.vector_store %arg6[%swap3A_66], %broadcast_in_dim3A_4 {strides = array<i32>} : memref<16384xf32, #tpu.memory_space<vmem>>, vector<16xf32>,
        %mul3A_68 = arith.constant 8 : i32
        %mul3A_69 = arith.muli %scan3A_53, %mul3A_68 : i32
        %add3A_70 = arith.constant 2 : i32
        %add3A_71 = arith.addi %mul3A_69, %add3A_70 : i32
        %mul3A_72 = arith.constant 16 : i32
        %mul3A_73 = arith.muli %add3A_71, %mul3A_72 : i32
        %swap3A_74 = arith.index_cast %mul3A_73 : i32 to index
        %swap3A_75 = tpu.vector_load %arg6[%swap3A_74] {strides = array<i32>} : memref<16384xf32, #tpu.memory_space<vmem>>, vector<16xf32>,
        tpu.vector_store %arg6[%swap3A_74], %broadcast_in_dim3A_4 {strides = array<i32>} : memref<16384xf32, #tpu.memory_space<vmem>>, vector<16xf32>,
        %mul3A_76 = arith.constant 8 : i32
        %mul3A_77 = arith.muli %scan3A_53, %mul3A_76 : i32
        %add3A_78 = arith.constant 3 : i32
        %add3A_79 = arith.addi %mul3A_77, %add3A_78 : i32
        %mul3A_80 = arith.constant 16 : i32
        %mul3A_81 = arith.muli %add3A_79, %mul3A_80 : i32
        %swap3A_82 = arith.index_cast %mul3A_81 : i32 to index
        %swap3A_83 = tpu.vector_load %arg6[%swap3A_82] {strides = array<i32>} : memref<16384xf32, #tpu.memory_space<vmem>>, vector<16xf32>,
        tpu.vector_store %arg6[%swap3A_82], %broadcast_in_dim3A_4 {strides = array<i32>} : memref<16384xf32, #tpu.memory_space<vmem>>, vector<16xf32>,
        %mul3A_84 = arith.constant 8 : i32
        %mul3A_85 = arith.muli %scan3A_53, %mul3A_84 : i32
        %add3A_86 = arith.constant 4 : i32
        %add3A_87 = arith.addi %mul3A_85, %add3A_86 : i32
        %mul3A_88 = arith.constant 16 : i32
        %mul3A_89 = arith.muli %add3A_87, %mul3A_88 : i32
        %swap3A_90 = arith.index_cast %mul3A_89 : i32 to index
        %swap3A_91 = tpu.vector_load %arg6[%swap3A_90] {strides = array<i32>} : memref<16384xf32, #tpu.memory_space<vmem>>, vector<16xf32>,
        tpu.vector_store %arg6[%swap3A_90], %broadcast_in_dim3A_4 {strides = array<i32>} : memref<16384xf32, #tpu.memory_space<vmem>>, vector<16xf32>,
        %mul3A_92 = arith.constant 8 : i32
        %mul3A_93 = arith.muli %scan3A_53, %mul3A_92 : i32
        %add3A_94 = arith.constant 5 : i32
        %add3A_95 = arith.addi %mul3A_93, %add3A_94 : i32
        %mul3A_96 = arith.constant 16 : i32
        %mul3A_97 = arith.muli %add3A_95, %mul3A_96 : i32
        %swap3A_98 = arith.index_cast %mul3A_97 : i32 to index
        %swap3A_99 = tpu.vector_load %arg6[%swap3A_98] {strides = array<i32>} : memref<16384xf32, #tpu.memory_space<vmem>>, vector<16xf32>,
        tpu.vector_store %arg6[%swap3A_98], %broadcast_in_dim3A_4 {strides = array<i32>} : memref<16384xf32, #tpu.memory_space<vmem>>, vector<16xf32>,
        %mul3A_100 = arith.constant 8 : i32
        %mul3A_101 = arith.muli %scan3A_53, %mul3A_100 : i32
        %add3A_102 = arith.constant 6 : i32
        %add3A_103 = arith.addi %mul3A_101, %add3A_102 : i32
        %mul3A_104 = arith.constant 16 : i32
        %mul3A_105 = arith.muli %add3A_103, %mul3A_104 : i32
        %swap3A_106 = arith.index_cast %mul3A_105 : i32 to index
        %swap3A_107 = tpu.vector_load %arg6[%swap3A_106] {strides = array<i32>} : memref<16384xf32, #tpu.memory_space<vmem>>, vector<16xf32>,
        tpu.vector_store %arg6[%swap3A_106], %broadcast_in_dim3A_4 {strides = array<i32>} : memref<16384xf32, #tpu.memory_space<vmem>>, vector<16xf32>,
        %mul3A_108 = arith.constant 8 : i32
        %mul3A_109 = arith.muli %scan3A_53, %mul3A_108 : i32
        %add3A_110 = arith.constant 7 : i32
        %add3A_111 = arith.addi %mul3A_109, %add3A_110 : i32
        %mul3A_112 = arith.constant 16 : i32
        %mul3A_113 = arith.muli %add3A_111, %mul3A_112 : i32
        %swap3A_114 = arith.index_cast %mul3A_113 : i32 to index
        %swap3A_115 = tpu.vector_load %arg6[%swap3A_114] {strides = array<i32>} : memref<16384xf32, #tpu.memory_space<vmem>>, vector<16xf32>,
        tpu.vector_store %arg6[%swap3A_114], %broadcast_in_dim3A_4 {strides = array<i32>} : memref<16384xf32, #tpu.memory_space<vmem>>, vector<16xf32>,
      }
      %scan3A_9 = arith.constant 128 : i32
      %dma_wait3A = tpu.memref_slice %arg2[%mul3A_2] : memref<32768xi32, #tpu.memory_space<hbm>> -> memref<2048xi32, #tpu.memory_space<hbm>>
      %dma_wait3A_10 = tpu.memref_slice %arg2[%mul3A_2] : memref<32768xi32, #tpu.memory_space<hbm>> -> memref<2048xi32, #tpu.memory_space<hbm>>
      tpu.wait_dma2 semaphore(%arg11 : memref<!tpu.dma_semaphore, #tpu.memory_space<semaphore_mem>>) src(%dma_wait3A_10 : memref<2048xi32, #tpu.memory_space<hbm>>) dst(%arg5 : memref<2048xi32, #tpu.memory_space<vmem>>)
      %iota3A = tpu.iota {dimensions = array<i32: 0>} : vector<16xi32>
      %mul3A_11 = arith.constant 1024 : i32
      %mul3A_12 = vector.broadcast %mul3A_11 : i32 to vector<16xi32>
      %mul3A_13 = arith.muli %iota3A, %mul3A_12 : vector<16xi32>
      %broadcast_in_dim3A_14 = arith.constant 1.000000e+00 : f32
      %broadcast_in_dim3A_15 = vector.broadcast %broadcast_in_dim3A_14 : f32 to vector<16xf32>
      %scan3A_16 = arith.constant 0 : i32
      %scan3A_17 = arith.constant 0 : i32
      %scan3A_18 = arith.constant 32 : i32
      %scan3A_19 = arith.addi %scan3A_17, %scan3A_18 : i32
      %scan3A_20 = arith.constant 1 : i32
      scf.for %scan3A_53 = %scan3A_17 to %scan3A_19 step %scan3A_20  : i32 {
        %mul3A_54 = arith.constant 4 : i32
        %mul3A_55 = arith.muli %scan3A_53, %mul3A_54 : i32
        %add3A = arith.constant 0 : i32
        %add3A_56 = arith.addi %mul3A_55, %add3A : i32
        %mul3A_57 = arith.constant 16 : i32
        %mul3A_58 = arith.muli %add3A_56, %mul3A_57 : i32
        %get3A = arith.index_cast %mul3A_58 : i32 to index
        %get3A_59 = tpu.vector_load %arg5[%get3A] {strides = array<i32>} : memref<2048xi32, #tpu.memory_space<vmem>>, vector<16xi32>,
        %add3A_60 = arith.addi %mul3A_13, %get3A_59 : vector<16xi32>
        tpu.vector_store_idx %arg6[%add3A_60], %broadcast_in_dim3A_15 {add = true} : memref<16384xf32, #tpu.memory_space<vmem>>[vector<16xi32>], vector<16xf32>,
        %mul3A_61 = arith.constant 4 : i32
        %mul3A_62 = arith.muli %scan3A_53, %mul3A_61 : i32
        %add3A_63 = arith.constant 1 : i32
        %add3A_64 = arith.addi %mul3A_62, %add3A_63 : i32
        %mul3A_65 = arith.constant 16 : i32
        %mul3A_66 = arith.muli %add3A_64, %mul3A_65 : i32
        %get3A_67 = arith.index_cast %mul3A_66 : i32 to index
        %get3A_68 = tpu.vector_load %arg5[%get3A_67] {strides = array<i32>} : memref<2048xi32, #tpu.memory_space<vmem>>, vector<16xi32>,
        %add3A_69 = arith.addi %mul3A_13, %get3A_68 : vector<16xi32>
        tpu.vector_store_idx %arg6[%add3A_69], %broadcast_in_dim3A_15 {add = true} : memref<16384xf32, #tpu.memory_space<vmem>>[vector<16xi32>], vector<16xf32>,
        %mul3A_70 = arith.constant 4 : i32
        %mul3A_71 = arith.muli %scan3A_53, %mul3A_70 : i32
        %add3A_72 = arith.constant 2 : i32
        %add3A_73 = arith.addi %mul3A_71, %add3A_72 : i32
        %mul3A_74 = arith.constant 16 : i32
        %mul3A_75 = arith.muli %add3A_73, %mul3A_74 : i32
        %get3A_76 = arith.index_cast %mul3A_75 : i32 to index
        %get3A_77 = tpu.vector_load %arg5[%get3A_76] {strides = array<i32>} : memref<2048xi32, #tpu.memory_space<vmem>>, vector<16xi32>,
        %add3A_78 = arith.addi %mul3A_13, %get3A_77 : vector<16xi32>
        tpu.vector_store_idx %arg6[%add3A_78], %broadcast_in_dim3A_15 {add = true} : memref<16384xf32, #tpu.memory_space<vmem>>[vector<16xi32>], vector<16xf32>,
        %mul3A_79 = arith.constant 4 : i32
        %mul3A_80 = arith.muli %scan3A_53, %mul3A_79 : i32
        %add3A_81 = arith.constant 3 : i32
        %add3A_82 = arith.addi %mul3A_80, %add3A_81 : i32
        %mul3A_83 = arith.constant 16 : i32
        %mul3A_84 = arith.muli %add3A_82, %mul3A_83 : i32
        %get3A_85 = arith.index_cast %mul3A_84 : i32 to index
        %get3A_86 = tpu.vector_load %arg5[%get3A_85] {strides = array<i32>} : memref<2048xi32, #tpu.memory_space<vmem>>, vector<16xi32>,
        %add3A_87 = arith.addi %mul3A_13, %get3A_86 : vector<16xi32>
        tpu.vector_store_idx %arg6[%add3A_87], %broadcast_in_dim3A_15 {add = true} : memref<16384xf32, #tpu.memory_space<vmem>>[vector<16xi32>], vector<16xf32>,
      }
      %scan3A_21 = arith.constant 32 : i32
      %scan3A_22 = arith.constant 0 : i32
      %scan3A_23 = arith.constant 0 : i32
      %scan3A_24 = arith.constant 64 : i32
      %scan3A_25 = arith.addi %scan3A_23, %scan3A_24 : i32
      %scan3A_26 = arith.constant 1 : i32
      scf.for %scan3A_53 = %scan3A_23 to %scan3A_25 step %scan3A_26  : i32 {
        %mul3A_54 = arith.constant 16 : i32
        %mul3A_55 = arith.muli %scan3A_53, %mul3A_54 : i32
        %get3A = arith.index_cast %mul3A_55 : i32 to index
        %get3A_56 = tpu.vector_load %arg6[%get3A] {strides = array<i32>} : memref<16384xf32, #tpu.memory_space<vmem>>, vector<16xf32>,
        %mul3A_57 = arith.constant 16 : i32
        %mul3A_58 = arith.muli %scan3A_53, %mul3A_57 : i32
        %add3A = arith.constant 1024 : i32
        %add3A_59 = arith.addi %add3A, %mul3A_58 : i32
        %get3A_60 = arith.index_cast %add3A_59 : i32 to index
        %get3A_61 = tpu.vector_load %arg6[%get3A_60] {strides = array<i32>} : memref<16384xf32, #tpu.memory_space<vmem>>, vector<16xf32>,
        %add3A_62 = arith.addf %get3A_56, %get3A_61 : vector<16xf32>
        %mul3A_63 = arith.constant 16 : i32
        %mul3A_64 = arith.muli %scan3A_53, %mul3A_63 : i32
        %add3A_65 = arith.constant 2048 : i32
        %add3A_66 = arith.addi %add3A_65, %mul3A_64 : i32
        %get3A_67 = arith.index_cast %add3A_66 : i32 to index
        %get3A_68 = tpu.vector_load %arg6[%get3A_67] {strides = array<i32>} : memref<16384xf32, #tpu.memory_space<vmem>>, vector<16xf32>,
        %add3A_69 = arith.addf %add3A_62, %get3A_68 : vector<16xf32>
        %mul3A_70 = arith.constant 16 : i32
        %mul3A_71 = arith.muli %scan3A_53, %mul3A_70 : i32
        %add3A_72 = arith.constant 3072 : i32
        %add3A_73 = arith.addi %add3A_72, %mul3A_71 : i32
        %get3A_74 = arith.index_cast %add3A_73 : i32 to index
        %get3A_75 = tpu.vector_load %arg6[%get3A_74] {strides = array<i32>} : memref<16384xf32, #tpu.memory_space<vmem>>, vector<16xf32>,
        %add3A_76 = arith.addf %add3A_69, %get3A_75 : vector<16xf32>
        %mul3A_77 = arith.constant 16 : i32
        %mul3A_78 = arith.muli %scan3A_53, %mul3A_77 : i32
        %add3A_79 = arith.constant 4096 : i32
        %add3A_80 = arith.addi %add3A_79, %mul3A_78 : i32
        %get3A_81 = arith.index_cast %add3A_80 : i32 to index
        %get3A_82 = tpu.vector_load %arg6[%get3A_81] {strides = array<i32>} : memref<16384xf32, #tpu.memory_space<vmem>>, vector<16xf32>,
        %add3A_83 = arith.addf %add3A_76, %get3A_82 : vector<16xf32>
        %mul3A_84 = arith.constant 16 : i32
        %mul3A_85 = arith.muli %scan3A_53, %mul3A_84 : i32
        %add3A_86 = arith.constant 5120 : i32
        %add3A_87 = arith.addi %add3A_86, %mul3A_85 : i32
        %get3A_88 = arith.index_cast %add3A_87 : i32 to index
        %get3A_89 = tpu.vector_load %arg6[%get3A_88] {strides = array<i32>} : memref<16384xf32, #tpu.memory_space<vmem>>, vector<16xf32>,
        %add3A_90 = arith.addf %add3A_83, %get3A_89 : vector<16xf32>
        %mul3A_91 = arith.constant 16 : i32
        %mul3A_92 = arith.muli %scan3A_53, %mul3A_91 : i32
        %add3A_93 = arith.constant 6144 : i32
        %add3A_94 = arith.addi %add3A_93, %mul3A_92 : i32
        %get3A_95 = arith.index_cast %add3A_94 : i32 to index
        %get3A_96 = tpu.vector_load %arg6[%get3A_95] {strides = array<i32>} : memref<16384xf32, #tpu.memory_space<vmem>>, vector<16xf32>,
        %add3A_97 = arith.addf %add3A_90, %get3A_96 : vector<16xf32>
        %mul3A_98 = arith.constant 16 : i32
        %mul3A_99 = arith.muli %scan3A_53, %mul3A_98 : i32
        %add3A_100 = arith.constant 7168 : i32
        %add3A_101 = arith.addi %add3A_100, %mul3A_99 : i32
        %get3A_102 = arith.index_cast %add3A_101 : i32 to index
        %get3A_103 = tpu.vector_load %arg6[%get3A_102] {strides = array<i32>} : memref<16384xf32, #tpu.memory_space<vmem>>, vector<16xf32>,
        %add3A_104 = arith.addf %add3A_97, %get3A_103 : vector<16xf32>
        %mul3A_105 = arith.constant 16 : i32
        %mul3A_106 = arith.muli %scan3A_53, %mul3A_105 : i32
        %add3A_107 = arith.constant 8192 : i32
        %add3A_108 = arith.addi %add3A_107, %mul3A_106 : i32
        %get3A_109 = arith.index_cast %add3A_108 : i32 to index
        %get3A_110 = tpu.vector_load %arg6[%get3A_109] {strides = array<i32>} : memref<16384xf32, #tpu.memory_space<vmem>>, vector<16xf32>,
        %add3A_111 = arith.addf %add3A_104, %get3A_110 : vector<16xf32>
        %mul3A_112 = arith.constant 16 : i32
        %mul3A_113 = arith.muli %scan3A_53, %mul3A_112 : i32
        %add3A_114 = arith.constant 9216 : i32
        %add3A_115 = arith.addi %add3A_114, %mul3A_113 : i32
        %get3A_116 = arith.index_cast %add3A_115 : i32 to index
        %get3A_117 = tpu.vector_load %arg6[%get3A_116] {strides = array<i32>} : memref<16384xf32, #tpu.memory_space<vmem>>, vector<16xf32>,
        %add3A_118 = arith.addf %add3A_111, %get3A_117 : vector<16xf32>
        %mul3A_119 = arith.constant 16 : i32
        %mul3A_120 = arith.muli %scan3A_53, %mul3A_119 : i32
        %add3A_121 = arith.constant 10240 : i32
        %add3A_122 = arith.addi %add3A_121, %mul3A_120 : i32
        %get3A_123 = arith.index_cast %add3A_122 : i32 to index
        %get3A_124 = tpu.vector_load %arg6[%get3A_123] {strides = array<i32>} : memref<16384xf32, #tpu.memory_space<vmem>>, vector<16xf32>,
        %add3A_125 = arith.addf %add3A_118, %get3A_124 : vector<16xf32>
        %mul3A_126 = arith.constant 16 : i32
        %mul3A_127 = arith.muli %scan3A_53, %mul3A_126 : i32
        %add3A_128 = arith.constant 11264 : i32
        %add3A_129 = arith.addi %add3A_128, %mul3A_127 : i32
        %get3A_130 = arith.index_cast %add3A_129 : i32 to index
        %get3A_131 = tpu.vector_load %arg6[%get3A_130] {strides = array<i32>} : memref<16384xf32, #tpu.memory_space<vmem>>, vector<16xf32>,
        %add3A_132 = arith.addf %add3A_125, %get3A_131 : vector<16xf32>
        %mul3A_133 = arith.constant 16 : i32
        %mul3A_134 = arith.muli %scan3A_53, %mul3A_133 : i32
        %add3A_135 = arith.constant 12288 : i32
        %add3A_136 = arith.addi %add3A_135, %mul3A_134 : i32
        %get3A_137 = arith.index_cast %add3A_136 : i32 to index
        %get3A_138 = tpu.vector_load %arg6[%get3A_137] {strides = array<i32>} : memref<16384xf32, #tpu.memory_space<vmem>>, vector<16xf32>,
        %add3A_139 = arith.addf %add3A_132, %get3A_138 : vector<16xf32>
        %mul3A_140 = arith.constant 16 : i32
        %mul3A_141 = arith.muli %scan3A_53, %mul3A_140 : i32
        %add3A_142 = arith.constant 13312 : i32
        %add3A_143 = arith.addi %add3A_142, %mul3A_141 : i32
        %get3A_144 = arith.index_cast %add3A_143 : i32 to index
        %get3A_145 = tpu.vector_load %arg6[%get3A_144] {strides = array<i32>} : memref<16384xf32, #tpu.memory_space<vmem>>, vector<16xf32>,
        %add3A_146 = arith.addf %add3A_139, %get3A_145 : vector<16xf32>
        %mul3A_147 = arith.constant 16 : i32
        %mul3A_148 = arith.muli %scan3A_53, %mul3A_147 : i32
        %add3A_149 = arith.constant 14336 : i32
        %add3A_150 = arith.addi %add3A_149, %mul3A_148 : i32
        %get3A_151 = arith.index_cast %add3A_150 : i32 to index
        %get3A_152 = tpu.vector_load %arg6[%get3A_151] {strides = array<i32>} : memref<16384xf32, #tpu.memory_space<vmem>>, vector<16xf32>,
        %add3A_153 = arith.addf %add3A_146, %get3A_152 : vector<16xf32>
        %mul3A_154 = arith.constant 16 : i32
        %mul3A_155 = arith.muli %scan3A_53, %mul3A_154 : i32
        %add3A_156 = arith.constant 15360 : i32
        %add3A_157 = arith.addi %add3A_156, %mul3A_155 : i32
        %get3A_158 = arith.index_cast %add3A_157 : i32 to index
        %get3A_159 = tpu.vector_load %arg6[%get3A_158] {strides = array<i32>} : memref<16384xf32, #tpu.memory_space<vmem>>, vector<16xf32>,
        %add3A_160 = arith.addf %add3A_153, %get3A_159 : vector<16xf32>
        %mul3A_161 = arith.constant 16 : i32
        %mul3A_162 = arith.muli %scan3A_53, %mul3A_161 : i32
        %swap3A = arith.index_cast %mul3A_162 : i32 to index
        %swap3A_163 = tpu.vector_load %arg7[%swap3A] {strides = array<i32>} : memref<1024xf32, #tpu.memory_space<vmem>>, vector<16xf32>,
        tpu.vector_store %arg7[%swap3A], %add3A_160 {strides = array<i32>} : memref<1024xf32, #tpu.memory_space<vmem>>, vector<16xf32>,
      }
      %scan3A_27 = arith.constant 64 : i32
      "tpu.region"() ({
        %run_scoped3A = tpu.sem_alloc : memref<!tpu.dma_semaphore, #tpu.memory_space<semaphore_mem>>
        %dma_start3A_53 = arith.constant 0 : i32
        %dma_start3A_54 = tpu.memref_slice %arg10[%arg1, %dma_start3A_53] : memref<16x1024xf32, #tpu.memory_space<vmem_shared>> -> memref<1x1024xf32, #tpu.memory_space<vmem_shared>>
        %dma_start3A_55 = tpu.memref_squeeze %dma_start3A_54 : memref<1x1024xf32, #tpu.memory_space<vmem_shared>> -> memref<1024xf32, #tpu.memory_space<vmem_shared>>
        %dma_start3A_56 = arith.constant 0 : i32
        %dma_start3A_57 = tpu.memref_slice %arg10[%arg1, %dma_start3A_56] : memref<16x1024xf32, #tpu.memory_space<vmem_shared>> -> memref<1x1024xf32, #tpu.memory_space<vmem_shared>>
        %dma_start3A_58 = tpu.memref_squeeze %dma_start3A_57 : memref<1x1024xf32, #tpu.memory_space<vmem_shared>> -> memref<1024xf32, #tpu.memory_space<vmem_shared>>
        tpu.enqueue_dma source(%arg7 : memref<1024xf32, #tpu.memory_space<vmem>>) target(%dma_start3A_58 : memref<1024xf32, #tpu.memory_space<vmem_shared>>) target_semaphore(%run_scoped3A : memref<!tpu.dma_semaphore, #tpu.memory_space<semaphore_mem>>)
        %dma_wait3A_59 = arith.constant 0 : i32
        %dma_wait3A_60 = tpu.memref_slice %arg10[%arg1, %dma_wait3A_59] : memref<16x1024xf32, #tpu.memory_space<vmem_shared>> -> memref<1x1024xf32, #tpu.memory_space<vmem_shared>>
        %dma_wait3A_61 = tpu.memref_squeeze %dma_wait3A_60 : memref<1x1024xf32, #tpu.memory_space<vmem_shared>> -> memref<1024xf32, #tpu.memory_space<vmem_shared>>
        %dma_wait3A_62 = arith.constant 0 : i32
        %dma_wait3A_63 = tpu.memref_slice %arg10[%arg1, %dma_wait3A_62] : memref<16x1024xf32, #tpu.memory_space<vmem_shared>> -> memref<1x1024xf32, #tpu.memory_space<vmem_shared>>
        %dma_wait3A_64 = tpu.memref_squeeze %dma_wait3A_63 : memref<1x1024xf32, #tpu.memory_space<vmem_shared>> -> memref<1024xf32, #tpu.memory_space<vmem_shared>>
        tpu.wait_dma2 semaphore(%run_scoped3A : memref<!tpu.dma_semaphore, #tpu.memory_space<semaphore_mem>>) src(%arg7 : memref<1024xf32, #tpu.memory_space<vmem>>) dst(%dma_wait3A_64 : memref<1024xf32, #tpu.memory_space<vmem_shared>>)
        tpu.yield
      }) : () -> ()
      %barrier3A = arith.constant 0 : index
      tpu.barrier barrier_id(%barrier3A)
      "tpu.region"() ({
        %run_scoped3A = tpu.sem_alloc : memref<!tpu.dma_semaphore, #tpu.memory_space<semaphore_mem>>
        tpu.enqueue_dma source(%arg10 : memref<16x1024xf32, #tpu.memory_space<vmem_shared>>) target(%arg8 : memref<16x1024xf32, #tpu.memory_space<vmem>>) target_semaphore(%run_scoped3A : memref<!tpu.dma_semaphore, #tpu.memory_space<semaphore_mem>>)
        tpu.wait_dma2 semaphore(%run_scoped3A : memref<!tpu.dma_semaphore, #tpu.memory_space<semaphore_mem>>) src(%arg10 : memref<16x1024xf32, #tpu.memory_space<vmem_shared>>) dst(%arg8 : memref<16x1024xf32, #tpu.memory_space<vmem>>)
        tpu.yield
      }) : () -> ()
      %ne3A = arith.constant 15 : i32
      %ne3A_28 = arith.cmpi ne, %arg1, %ne3A : i32
      %convert_element_type3A_29 = arith.extui %ne3A_28 : i1 to i32
      %cond3A_30 = arith.constant 0 : i32
      %cond3A_31 = arith.cmpi ne, %convert_element_type3A_29, %cond3A_30 : i32
      scf.if %cond3A_31 {
        %mul3A_53 = arith.constant 64 : i32
        %mul3A_54 = arith.muli %arg1, %mul3A_53 : i32
        "tpu.region"() ({
          %run_scoped3A = tpu.sem_alloc : memref<!tpu.dma_semaphore, #tpu.memory_space<semaphore_mem>>
          %dma_start3A_55 = tpu.memref_slice %arg3[%mul3A_54] : memref<1000xf32, #tpu.memory_space<hbm>> -> memref<64xf32, #tpu.memory_space<hbm>>
          %dma_start3A_56 = tpu.memref_slice %arg3[%mul3A_54] : memref<1000xf32, #tpu.memory_space<hbm>> -> memref<64xf32, #tpu.memory_space<hbm>>
          tpu.enqueue_dma source(%dma_start3A_56 : memref<64xf32, #tpu.memory_space<hbm>>) target(%arg9 : memref<64xf32, #tpu.memory_space<vmem>>) target_semaphore(%run_scoped3A : memref<!tpu.dma_semaphore, #tpu.memory_space<semaphore_mem>>)
          %dma_wait3A_57 = tpu.memref_slice %arg3[%mul3A_54] : memref<1000xf32, #tpu.memory_space<hbm>> -> memref<64xf32, #tpu.memory_space<hbm>>
          %dma_wait3A_58 = tpu.memref_slice %arg3[%mul3A_54] : memref<1000xf32, #tpu.memory_space<hbm>> -> memref<64xf32, #tpu.memory_space<hbm>>
          tpu.wait_dma2 semaphore(%run_scoped3A : memref<!tpu.dma_semaphore, #tpu.memory_space<semaphore_mem>>) src(%dma_wait3A_58 : memref<64xf32, #tpu.memory_space<hbm>>) dst(%arg9 : memref<64xf32, #tpu.memory_space<vmem>>)
          tpu.yield
        }) : () -> ()
      } else {
      }
      %eq3A_32 = arith.constant 15 : i32
      %eq3A_33 = arith.cmpi eq, %arg1, %eq3A_32 : i32
      %convert_element_type3A_34 = arith.extui %eq3A_33 : i1 to i32
      %cond3A_35 = arith.constant 0 : i32
      %cond3A_36 = arith.cmpi ne, %convert_element_type3A_34, %cond3A_35 : i32
      scf.if %cond3A_36 {
        %swap3A = arith.constant 40 : index
        %swap3A_53 = tpu.vector_load %arg9[%swap3A] {strides = array<i32>} : memref<64xf32, #tpu.memory_space<vmem>>, vector<16xf32>,
        tpu.vector_store %arg9[%swap3A], %broadcast_in_dim3A_4 {strides = array<i32>} : memref<64xf32, #tpu.memory_space<vmem>>, vector<16xf32>,
        %swap3A_54 = arith.constant 48 : index
        %swap3A_55 = tpu.vector_load %arg9[%swap3A_54] {strides = array<i32>} : memref<64xf32, #tpu.memory_space<vmem>>, vector<16xf32>,
        tpu.vector_store %arg9[%swap3A_54], %broadcast_in_dim3A_4 {strides = array<i32>} : memref<64xf32, #tpu.memory_space<vmem>>, vector<16xf32>,
        "tpu.region"() ({
          %run_scoped3A = tpu.sem_alloc : memref<!tpu.dma_semaphore, #tpu.memory_space<semaphore_mem>>
          %dma_start3A_56 = arith.constant 0 : i32
          %dma_start3A_57 = tpu.memref_slice %arg9[%dma_start3A_56] : memref<64xf32, #tpu.memory_space<vmem>> -> memref<40xf32, #tpu.memory_space<vmem>>
          %dma_start3A_58 = arith.constant 960 : i32
          %dma_start3A_59 = tpu.memref_slice %arg3[%dma_start3A_58] : memref<1000xf32, #tpu.memory_space<hbm>> -> memref<40xf32, #tpu.memory_space<hbm>>
          %dma_start3A_60 = arith.constant 0 : i32
          %dma_start3A_61 = tpu.memref_slice %arg9[%dma_start3A_60] : memref<64xf32, #tpu.memory_space<vmem>> -> memref<40xf32, #tpu.memory_space<vmem>>
          %dma_start3A_62 = arith.constant 960 : i32
          %dma_start3A_63 = tpu.memref_slice %arg3[%dma_start3A_62] : memref<1000xf32, #tpu.memory_space<hbm>> -> memref<40xf32, #tpu.memory_space<hbm>>
          tpu.enqueue_dma source(%dma_start3A_63 : memref<40xf32, #tpu.memory_space<hbm>>) target(%dma_start3A_61 : memref<40xf32, #tpu.memory_space<vmem>>) target_semaphore(%run_scoped3A : memref<!tpu.dma_semaphore, #tpu.memory_space<semaphore_mem>>)
          %dma_wait3A_64 = arith.constant 0 : i32
          %dma_wait3A_65 = tpu.memref_slice %arg9[%dma_wait3A_64] : memref<64xf32, #tpu.memory_space<vmem>> -> memref<40xf32, #tpu.memory_space<vmem>>
          %dma_wait3A_66 = arith.constant 960 : i32
          %dma_wait3A_67 = tpu.memref_slice %arg3[%dma_wait3A_66] : memref<1000xf32, #tpu.memory_space<hbm>> -> memref<40xf32, #tpu.memory_space<hbm>>
          %dma_wait3A_68 = arith.constant 0 : i32
          %dma_wait3A_69 = tpu.memref_slice %arg9[%dma_wait3A_68] : memref<64xf32, #tpu.memory_space<vmem>> -> memref<40xf32, #tpu.memory_space<vmem>>
          %dma_wait3A_70 = arith.constant 960 : i32
          %dma_wait3A_71 = tpu.memref_slice %arg3[%dma_wait3A_70] : memref<1000xf32, #tpu.memory_space<hbm>> -> memref<40xf32, #tpu.memory_space<hbm>>
          tpu.wait_dma2 semaphore(%run_scoped3A : memref<!tpu.dma_semaphore, #tpu.memory_space<semaphore_mem>>) src(%dma_wait3A_71 : memref<40xf32, #tpu.memory_space<hbm>>) dst(%dma_wait3A_69 : memref<40xf32, #tpu.memory_space<vmem>>)
          tpu.yield
        }) : () -> ()
      } else {
      }
      %scan3A_37 = arith.constant 0 : i32
      %scan3A_38 = arith.constant 0 : i32
      %scan3A_39 = arith.constant 4 : i32
      %scan3A_40 = arith.addi %scan3A_38, %scan3A_39 : i32
      %scan3A_41 = arith.constant 1 : i32
      scf.for %scan3A_53 = %scan3A_38 to %scan3A_40 step %scan3A_41  : i32 {
        %mul3A_54 = arith.constant 16 : i32
        %mul3A_55 = arith.muli %scan3A_53, %mul3A_54 : i32
        %get3A = arith.index_cast %mul3A_55 : i32 to index
        %get3A_56 = tpu.vector_load %arg9[%get3A] {strides = array<i32>} : memref<64xf32, #tpu.memory_space<vmem>>, vector<16xf32>,
        %mul3A_57 = arith.constant 64 : i32
        %mul3A_58 = arith.muli %arg1, %mul3A_57 : i32
        %mul3A_59 = arith.constant 16 : i32
        %mul3A_60 = arith.muli %scan3A_53, %mul3A_59 : i32
        %add3A = arith.addi %mul3A_58, %mul3A_60 : i32
        %get3A_61 = arith.constant 0 : i32
        %get3A_62 = arith.index_cast %get3A_61 : i32 to index
        %get3A_63 = arith.index_cast %add3A : i32 to index
        %get3A_64 = tpu.vector_load %arg8[%get3A_62, %get3A_63] {strides = array<i32>} : memref<16x1024xf32, #tpu.memory_space<vmem>>, vector<16xf32>,
        %add3A_65 = arith.addf %get3A_56, %get3A_64 : vector<16xf32>
        %mul3A_66 = arith.constant 64 : i32
        %mul3A_67 = arith.muli %arg1, %mul3A_66 : i32
        %mul3A_68 = arith.constant 16 : i32
        %mul3A_69 = arith.muli %scan3A_53, %mul3A_68 : i32
        %add3A_70 = arith.addi %mul3A_67, %mul3A_69 : i32
        %get3A_71 = arith.constant 1 : i32
        %get3A_72 = arith.index_cast %get3A_71 : i32 to index
        %get3A_73 = arith.index_cast %add3A_70 : i32 to index
        %get3A_74 = tpu.vector_load %arg8[%get3A_72, %get3A_73] {strides = array<i32>} : memref<16x1024xf32, #tpu.memory_space<vmem>>, vector<16xf32>,
        %add3A_75 = arith.addf %add3A_65, %get3A_74 : vector<16xf32>
        %mul3A_76 = arith.constant 64 : i32
        %mul3A_77 = arith.muli %arg1, %mul3A_76 : i32
        %mul3A_78 = arith.constant 16 : i32
        %mul3A_79 = arith.muli %scan3A_53, %mul3A_78 : i32
        %add3A_80 = arith.addi %mul3A_77, %mul3A_79 : i32
        %get3A_81 = arith.constant 2 : i32
        %get3A_82 = arith.index_cast %get3A_81 : i32 to index
        %get3A_83 = arith.index_cast %add3A_80 : i32 to index
        %get3A_84 = tpu.vector_load %arg8[%get3A_82, %get3A_83] {strides = array<i32>} : memref<16x1024xf32, #tpu.memory_space<vmem>>, vector<16xf32>,
        %add3A_85 = arith.addf %add3A_75, %get3A_84 : vector<16xf32>
        %mul3A_86 = arith.constant 64 : i32
        %mul3A_87 = arith.muli %arg1, %mul3A_86 : i32
        %mul3A_88 = arith.constant 16 : i32
        %mul3A_89 = arith.muli %scan3A_53, %mul3A_88 : i32
        %add3A_90 = arith.addi %mul3A_87, %mul3A_89 : i32
        %get3A_91 = arith.constant 3 : i32
        %get3A_92 = arith.index_cast %get3A_91 : i32 to index
        %get3A_93 = arith.index_cast %add3A_90 : i32 to index
        %get3A_94 = tpu.vector_load %arg8[%get3A_92, %get3A_93] {strides = array<i32>} : memref<16x1024xf32, #tpu.memory_space<vmem>>, vector<16xf32>,
        %add3A_95 = arith.addf %add3A_85, %get3A_94 : vector<16xf32>
        %mul3A_96 = arith.constant 64 : i32
        %mul3A_97 = arith.muli %arg1, %mul3A_96 : i32
        %mul3A_98 = arith.constant 16 : i32
        %mul3A_99 = arith.muli %scan3A_53, %mul3A_98 : i32
        %add3A_100 = arith.addi %mul3A_97, %mul3A_99 : i32
        %get3A_101 = arith.constant 4 : i32
        %get3A_102 = arith.index_cast %get3A_101 : i32 to index
        %get3A_103 = arith.index_cast %add3A_100 : i32 to index
        %get3A_104 = tpu.vector_load %arg8[%get3A_102, %get3A_103] {strides = array<i32>} : memref<16x1024xf32, #tpu.memory_space<vmem>>, vector<16xf32>,
        %add3A_105 = arith.addf %add3A_95, %get3A_104 : vector<16xf32>
        %mul3A_106 = arith.constant 64 : i32
        %mul3A_107 = arith.muli %arg1, %mul3A_106 : i32
        %mul3A_108 = arith.constant 16 : i32
        %mul3A_109 = arith.muli %scan3A_53, %mul3A_108 : i32
        %add3A_110 = arith.addi %mul3A_107, %mul3A_109 : i32
        %get3A_111 = arith.constant 5 : i32
        %get3A_112 = arith.index_cast %get3A_111 : i32 to index
        %get3A_113 = arith.index_cast %add3A_110 : i32 to index
        %get3A_114 = tpu.vector_load %arg8[%get3A_112, %get3A_113] {strides = array<i32>} : memref<16x1024xf32, #tpu.memory_space<vmem>>, vector<16xf32>,
        %add3A_115 = arith.addf %add3A_105, %get3A_114 : vector<16xf32>
        %mul3A_116 = arith.constant 64 : i32
        %mul3A_117 = arith.muli %arg1, %mul3A_116 : i32
        %mul3A_118 = arith.constant 16 : i32
        %mul3A_119 = arith.muli %scan3A_53, %mul3A_118 : i32
        %add3A_120 = arith.addi %mul3A_117, %mul3A_119 : i32
        %get3A_121 = arith.constant 6 : i32
        %get3A_122 = arith.index_cast %get3A_121 : i32 to index
        %get3A_123 = arith.index_cast %add3A_120 : i32 to index
        %get3A_124 = tpu.vector_load %arg8[%get3A_122, %get3A_123] {strides = array<i32>} : memref<16x1024xf32, #tpu.memory_space<vmem>>, vector<16xf32>,
        %add3A_125 = arith.addf %add3A_115, %get3A_124 : vector<16xf32>
        %mul3A_126 = arith.constant 64 : i32
        %mul3A_127 = arith.muli %arg1, %mul3A_126 : i32
        %mul3A_128 = arith.constant 16 : i32
        %mul3A_129 = arith.muli %scan3A_53, %mul3A_128 : i32
        %add3A_130 = arith.addi %mul3A_127, %mul3A_129 : i32
        %get3A_131 = arith.constant 7 : i32
        %get3A_132 = arith.index_cast %get3A_131 : i32 to index
        %get3A_133 = arith.index_cast %add3A_130 : i32 to index
        %get3A_134 = tpu.vector_load %arg8[%get3A_132, %get3A_133] {strides = array<i32>} : memref<16x1024xf32, #tpu.memory_space<vmem>>, vector<16xf32>,
        %add3A_135 = arith.addf %add3A_125, %get3A_134 : vector<16xf32>
        %mul3A_136 = arith.constant 64 : i32
        %mul3A_137 = arith.muli %arg1, %mul3A_136 : i32
        %mul3A_138 = arith.constant 16 : i32
        %mul3A_139 = arith.muli %scan3A_53, %mul3A_138 : i32
        %add3A_140 = arith.addi %mul3A_137, %mul3A_139 : i32
        %get3A_141 = arith.constant 8 : i32
        %get3A_142 = arith.index_cast %get3A_141 : i32 to index
        %get3A_143 = arith.index_cast %add3A_140 : i32 to index
        %get3A_144 = tpu.vector_load %arg8[%get3A_142, %get3A_143] {strides = array<i32>} : memref<16x1024xf32, #tpu.memory_space<vmem>>, vector<16xf32>,
        %add3A_145 = arith.addf %add3A_135, %get3A_144 : vector<16xf32>
        %mul3A_146 = arith.constant 64 : i32
        %mul3A_147 = arith.muli %arg1, %mul3A_146 : i32
        %mul3A_148 = arith.constant 16 : i32
        %mul3A_149 = arith.muli %scan3A_53, %mul3A_148 : i32
        %add3A_150 = arith.addi %mul3A_147, %mul3A_149 : i32
        %get3A_151 = arith.constant 9 : i32
        %get3A_152 = arith.index_cast %get3A_151 : i32 to index
        %get3A_153 = arith.index_cast %add3A_150 : i32 to index
        %get3A_154 = tpu.vector_load %arg8[%get3A_152, %get3A_153] {strides = array<i32>} : memref<16x1024xf32, #tpu.memory_space<vmem>>, vector<16xf32>,
        %add3A_155 = arith.addf %add3A_145, %get3A_154 : vector<16xf32>
        %mul3A_156 = arith.constant 64 : i32
        %mul3A_157 = arith.muli %arg1, %mul3A_156 : i32
        %mul3A_158 = arith.constant 16 : i32
        %mul3A_159 = arith.muli %scan3A_53, %mul3A_158 : i32
        %add3A_160 = arith.addi %mul3A_157, %mul3A_159 : i32
        %get3A_161 = arith.constant 10 : i32
        %get3A_162 = arith.index_cast %get3A_161 : i32 to index
        %get3A_163 = arith.index_cast %add3A_160 : i32 to index
        %get3A_164 = tpu.vector_load %arg8[%get3A_162, %get3A_163] {strides = array<i32>} : memref<16x1024xf32, #tpu.memory_space<vmem>>, vector<16xf32>,
        %add3A_165 = arith.addf %add3A_155, %get3A_164 : vector<16xf32>
        %mul3A_166 = arith.constant 64 : i32
        %mul3A_167 = arith.muli %arg1, %mul3A_166 : i32
        %mul3A_168 = arith.constant 16 : i32
        %mul3A_169 = arith.muli %scan3A_53, %mul3A_168 : i32
        %add3A_170 = arith.addi %mul3A_167, %mul3A_169 : i32
        %get3A_171 = arith.constant 11 : i32
        %get3A_172 = arith.index_cast %get3A_171 : i32 to index
        %get3A_173 = arith.index_cast %add3A_170 : i32 to index
        %get3A_174 = tpu.vector_load %arg8[%get3A_172, %get3A_173] {strides = array<i32>} : memref<16x1024xf32, #tpu.memory_space<vmem>>, vector<16xf32>,
        %add3A_175 = arith.addf %add3A_165, %get3A_174 : vector<16xf32>
        %mul3A_176 = arith.constant 64 : i32
        %mul3A_177 = arith.muli %arg1, %mul3A_176 : i32
        %mul3A_178 = arith.constant 16 : i32
        %mul3A_179 = arith.muli %scan3A_53, %mul3A_178 : i32
        %add3A_180 = arith.addi %mul3A_177, %mul3A_179 : i32
        %get3A_181 = arith.constant 12 : i32
        %get3A_182 = arith.index_cast %get3A_181 : i32 to index
        %get3A_183 = arith.index_cast %add3A_180 : i32 to index
        %get3A_184 = tpu.vector_load %arg8[%get3A_182, %get3A_183] {strides = array<i32>} : memref<16x1024xf32, #tpu.memory_space<vmem>>, vector<16xf32>,
        %add3A_185 = arith.addf %add3A_175, %get3A_184 : vector<16xf32>
        %mul3A_186 = arith.constant 64 : i32
        %mul3A_187 = arith.muli %arg1, %mul3A_186 : i32
        %mul3A_188 = arith.constant 16 : i32
        %mul3A_189 = arith.muli %scan3A_53, %mul3A_188 : i32
        %add3A_190 = arith.addi %mul3A_187, %mul3A_189 : i32
        %get3A_191 = arith.constant 13 : i32
        %get3A_192 = arith.index_cast %get3A_191 : i32 to index
        %get3A_193 = arith.index_cast %add3A_190 : i32 to index
        %get3A_194 = tpu.vector_load %arg8[%get3A_192, %get3A_193] {strides = array<i32>} : memref<16x1024xf32, #tpu.memory_space<vmem>>, vector<16xf32>,
        %add3A_195 = arith.addf %add3A_185, %get3A_194 : vector<16xf32>
        %mul3A_196 = arith.constant 64 : i32
        %mul3A_197 = arith.muli %arg1, %mul3A_196 : i32
        %mul3A_198 = arith.constant 16 : i32
        %mul3A_199 = arith.muli %scan3A_53, %mul3A_198 : i32
        %add3A_200 = arith.addi %mul3A_197, %mul3A_199 : i32
        %get3A_201 = arith.constant 14 : i32
        %get3A_202 = arith.index_cast %get3A_201 : i32 to index
        %get3A_203 = arith.index_cast %add3A_200 : i32 to index
        %get3A_204 = tpu.vector_load %arg8[%get3A_202, %get3A_203] {strides = array<i32>} : memref<16x1024xf32, #tpu.memory_space<vmem>>, vector<16xf32>,
        %add3A_205 = arith.addf %add3A_195, %get3A_204 : vector<16xf32>
        %mul3A_206 = arith.constant 64 : i32
        %mul3A_207 = arith.muli %arg1, %mul3A_206 : i32
        %mul3A_208 = arith.constant 16 : i32
        %mul3A_209 = arith.muli %scan3A_53, %mul3A_208 : i32
        %add3A_210 = arith.addi %mul3A_207, %mul3A_209 : i32
        %get3A_211 = arith.constant 15 : i32
        %get3A_212 = arith.index_cast %get3A_211 : i32 to index
        %get3A_213 = arith.index_cast %add3A_210 : i32 to index
        %get3A_214 = tpu.vector_load %arg8[%get3A_212, %get3A_213] {strides = array<i32>} : memref<16x1024xf32, #tpu.memory_space<vmem>>, vector<16xf32>,
        %add3A_215 = arith.addf %add3A_205, %get3A_214 : vector<16xf32>
        %mul3A_216 = arith.constant 16 : i32
        %mul3A_217 = arith.muli %scan3A_53, %mul3A_216 : i32
        %swap3A = arith.index_cast %mul3A_217 : i32 to index
        %swap3A_218 = tpu.vector_load %arg9[%swap3A] {strides = array<i32>} : memref<64xf32, #tpu.memory_space<vmem>>, vector<16xf32>,
        tpu.vector_store %arg9[%swap3A], %add3A_215 {strides = array<i32>} : memref<64xf32, #tpu.memory_space<vmem>>, vector<16xf32>,
      }
      %scan3A_42 = arith.constant 4 : i32
      %ne3A_43 = arith.constant 15 : i32
      %ne3A_44 = arith.cmpi ne, %arg1, %ne3A_43 : i32
      %convert_element_type3A_45 = arith.extui %ne3A_44 : i1 to i32
      %cond3A_46 = arith.constant 0 : i32
      %cond3A_47 = arith.cmpi ne, %convert_element_type3A_45, %cond3A_46 : i32
      scf.if %cond3A_47 {
        %mul3A_53 = arith.constant 64 : i32
        %mul3A_54 = arith.muli %arg1, %mul3A_53 : i32
        "tpu.region"() ({
          %run_scoped3A = tpu.sem_alloc : memref<!tpu.dma_semaphore, #tpu.memory_space<semaphore_mem>>
          %dma_start3A_55 = tpu.memref_slice %arg4[%mul3A_54] : memref<1000xf32, #tpu.memory_space<hbm>> -> memref<64xf32, #tpu.memory_space<hbm>>
          %dma_start3A_56 = tpu.memref_slice %arg4[%mul3A_54] : memref<1000xf32, #tpu.memory_space<hbm>> -> memref<64xf32, #tpu.memory_space<hbm>>
          tpu.enqueue_dma source(%arg9 : memref<64xf32, #tpu.memory_space<vmem>>) target(%dma_start3A_56 : memref<64xf32, #tpu.memory_space<hbm>>) target_semaphore(%run_scoped3A : memref<!tpu.dma_semaphore, #tpu.memory_space<semaphore_mem>>)
          %dma_wait3A_57 = tpu.memref_slice %arg4[%mul3A_54] : memref<1000xf32, #tpu.memory_space<hbm>> -> memref<64xf32, #tpu.memory_space<hbm>>
          %dma_wait3A_58 = tpu.memref_slice %arg4[%mul3A_54] : memref<1000xf32, #tpu.memory_space<hbm>> -> memref<64xf32, #tpu.memory_space<hbm>>
          tpu.wait_dma2 semaphore(%run_scoped3A : memref<!tpu.dma_semaphore, #tpu.memory_space<semaphore_mem>>) src(%arg9 : memref<64xf32, #tpu.memory_space<vmem>>) dst(%dma_wait3A_58 : memref<64xf32, #tpu.memory_space<hbm>>)
          tpu.yield
        }) : () -> ()
      } else {
      }
      %eq3A_48 = arith.constant 15 : i32
      %eq3A_49 = arith.cmpi eq, %arg1, %eq3A_48 : i32
      %convert_element_type3A_50 = arith.extui %eq3A_49 : i1 to i32
      %cond3A_51 = arith.constant 0 : i32
      %cond3A_52 = arith.cmpi ne, %convert_element_type3A_50, %cond3A_51 : i32
      scf.if %cond3A_52 {
        "tpu.region"() ({
          %run_scoped3A = tpu.sem_alloc : memref<!tpu.dma_semaphore, #tpu.memory_space<semaphore_mem>>
          %dma_start3A_53 = arith.constant 0 : i32
          %dma_start3A_54 = tpu.memref_slice %arg9[%dma_start3A_53] : memref<64xf32, #tpu.memory_space<vmem>> -> memref<40xf32, #tpu.memory_space<vmem>>
          %dma_start3A_55 = arith.constant 960 : i32
          %dma_start3A_56 = tpu.memref_slice %arg4[%dma_start3A_55] : memref<1000xf32, #tpu.memory_space<hbm>> -> memref<40xf32, #tpu.memory_space<hbm>>
          %dma_start3A_57 = arith.constant 960 : i32
          %dma_start3A_58 = tpu.memref_slice %arg4[%dma_start3A_57] : memref<1000xf32, #tpu.memory_space<hbm>> -> memref<40xf32, #tpu.memory_space<hbm>>
          %dma_start3A_59 = arith.constant 0 : i32
          %dma_start3A_60 = tpu.memref_slice %arg9[%dma_start3A_59] : memref<64xf32, #tpu.memory_space<vmem>> -> memref<40xf32, #tpu.memory_space<vmem>>
          tpu.enqueue_dma source(%dma_start3A_60 : memref<40xf32, #tpu.memory_space<vmem>>) target(%dma_start3A_58 : memref<40xf32, #tpu.memory_space<hbm>>) target_semaphore(%run_scoped3A : memref<!tpu.dma_semaphore, #tpu.memory_space<semaphore_mem>>)
          %dma_wait3A_61 = arith.constant 0 : i32
          %dma_wait3A_62 = tpu.memref_slice %arg9[%dma_wait3A_61] : memref<64xf32, #tpu.memory_space<vmem>> -> memref<40xf32, #tpu.memory_space<vmem>>
          %dma_wait3A_63 = arith.constant 960 : i32
          %dma_wait3A_64 = tpu.memref_slice %arg4[%dma_wait3A_63] : memref<1000xf32, #tpu.memory_space<hbm>> -> memref<40xf32, #tpu.memory_space<hbm>>
          %dma_wait3A_65 = arith.constant 960 : i32
          %dma_wait3A_66 = tpu.memref_slice %arg4[%dma_wait3A_65] : memref<1000xf32, #tpu.memory_space<hbm>> -> memref<40xf32, #tpu.memory_space<hbm>>
          %dma_wait3A_67 = arith.constant 0 : i32
          %dma_wait3A_68 = tpu.memref_slice %arg9[%dma_wait3A_67] : memref<64xf32, #tpu.memory_space<vmem>> -> memref<40xf32, #tpu.memory_space<vmem>>
          tpu.wait_dma2 semaphore(%run_scoped3A : memref<!tpu.dma_semaphore, #tpu.memory_space<semaphore_mem>>) src(%dma_wait3A_68 : memref<40xf32, #tpu.memory_space<vmem>>) dst(%dma_wait3A_66 : memref<40xf32, #tpu.memory_space<hbm>>)
          tpu.yield
        }) : () -> ()
      } else {
      }
    } else {
    }
    return
  }
}

module attributes {stable_mosaic.version = 14 : i64} {
  func.func @_argmax_body(%arg0: i32, %arg1: memref<1x1000x2048xf32, #tpu.memory_space<vmem>>, %arg2: memref<1x1000x2048xf32, #tpu.memory_space<vmem>>, %arg3: memref<4096xi32, #tpu.memory_space<vmem>>) attributes {dimension_semantics = [#tpu.dimension_semantics<arbitrary>], iteration_bounds = array<i64: 8>, scalar_prefetch = 0 : i64, scratch_operands = 0 : i64, tpu.core_type = #tpu.core_type<tc>, window_params = [{transform_indices = @transform_0, window_bounds = array<i64: 1, 1000, 2048>}, {transform_indices = @transform_1, window_bounds = array<i64: 1, 1000, 2048>}, {transform_indices = @transform_2, window_bounds = array<i64: 4096>}]} {
    %iota3A = tpu.iota {dimensions = array<i32: 0>} : vector<1000x2048xi32>
    %get3A = arith.constant 0 : index
    %get3A_0 = arith.constant 0 : index
    %get3A_1 = arith.constant 0 : index
    %get3A_2 = vector.load %arg1[%get3A, %get3A_0, %get3A_1] : memref<1x1000x2048xf32, #tpu.memory_space<vmem>>, vector<1x1000x2048xf32>
    %get3A_3 = vector.shape_cast %get3A_2 : vector<1x1000x2048xf32> to vector<1000x2048xf32>
    %reduce_max3A = arith.constant dense<0xFF800000> : vector<2048xf32>
    %reduce_max3A_4 = vector.multi_reduction <maximumf>, %get3A_3, %reduce_max3A [0] : vector<1000x2048xf32> to vector<2048xf32>
    %broadcast_in_dim3A = vector.shape_cast %reduce_max3A_4 : vector<2048xf32> to vector<1x2048xf32>
    %eq3A = vector.broadcast %broadcast_in_dim3A : vector<1x2048xf32> to vector<1000x2048xf32>
    %eq3A_5 = arith.cmpf oeq, %get3A_3, %eq3A : vector<1000x2048xf32>
    %jit3A = arith.constant 1000 : i32
    %broadcast_in_dim3A_6 = vector.broadcast %jit3A : i32 to vector<1000x2048xi32>
    %select_n3A = arith.select %eq3A_5, %iota3A, %broadcast_in_dim3A_6 : vector<1000x2048xi1>, vector<1000x2048xi32>
    %reduce_min3A = arith.constant dense<2147483647> : vector<2048xi32>
    %reduce_min3A_7 = vector.multi_reduction <minsi>, %select_n3A, %reduce_min3A [0] : vector<1000x2048xi32> to vector<2048xi32>
    %swap3A = arith.constant 0 : index
    %swap3A_8 = vector.load %arg3[%swap3A] : memref<4096xi32, #tpu.memory_space<vmem>>, vector<2048xi32>
    tpu.vector_store %arg3[%swap3A], %reduce_min3A_7 {strides = array<i32>} : memref<4096xi32, #tpu.memory_space<vmem>>, vector<2048xi32>,
    %get3A_9 = arith.constant 0 : index
    %get3A_10 = arith.constant 0 : index
    %get3A_11 = arith.constant 0 : index
    %get3A_12 = vector.load %arg2[%get3A_9, %get3A_10, %get3A_11] : memref<1x1000x2048xf32, #tpu.memory_space<vmem>>, vector<1x1000x2048xf32>
    %get3A_13 = vector.shape_cast %get3A_12 : vector<1x1000x2048xf32> to vector<1000x2048xf32>
    %reduce_max3A_14 = arith.constant dense<0xFF800000> : vector<2048xf32>
    %reduce_max3A_15 = vector.multi_reduction <maximumf>, %get3A_13, %reduce_max3A_14 [0] : vector<1000x2048xf32> to vector<2048xf32>
    %broadcast_in_dim3A_16 = vector.shape_cast %reduce_max3A_15 : vector<2048xf32> to vector<1x2048xf32>
    %eq3A_17 = vector.broadcast %broadcast_in_dim3A_16 : vector<1x2048xf32> to vector<1000x2048xf32>
    %eq3A_18 = arith.cmpf oeq, %get3A_13, %eq3A_17 : vector<1000x2048xf32>
    %jit3A_19 = arith.constant 1000 : i32
    %broadcast_in_dim3A_20 = vector.broadcast %jit3A_19 : i32 to vector<1000x2048xi32>
    %select_n3A_21 = arith.select %eq3A_18, %iota3A, %broadcast_in_dim3A_20 : vector<1000x2048xi1>, vector<1000x2048xi32>
    %reduce_min3A_22 = arith.constant dense<2147483647> : vector<2048xi32>
    %reduce_min3A_23 = vector.multi_reduction <minsi>, %select_n3A_21, %reduce_min3A_22 [0] : vector<1000x2048xi32> to vector<2048xi32>
    %swap3A_24 = arith.constant 2048 : index
    %swap3A_25 = vector.load %arg3[%swap3A_24] : memref<4096xi32, #tpu.memory_space<vmem>>, vector<2048xi32>
    tpu.vector_store %arg3[%swap3A_24], %reduce_min3A_23 {strides = array<i32>} : memref<4096xi32, #tpu.memory_space<vmem>>, vector<2048xi32>,
    return
  }
  func.func @transform_0(%arg0: i32) -> (i32, i32, i32) {
    %c0_i32 = arith.constant 0 : i32
    %c0_i32_0 = arith.constant 0 : i32
    %c0_i32_1 = arith.constant 0 : i32
    return %c0_i32, %c0_i32_0, %arg0 : i32, i32, i32
  }
  func.func @transform_1(%arg0: i32) -> (i32, i32, i32) {
    %c1_i32 = arith.constant 1 : i32
    %c0_i32 = arith.constant 0 : i32
    %c0_i32_0 = arith.constant 0 : i32
    return %c1_i32, %c0_i32, %arg0 : i32, i32, i32
  }
  func.func @transform_2(%arg0: i32) -> i32 {
    %c0_i32 = arith.constant 0 : i32
    return %arg0 : i32
  }
}

</mosaic_0001>

<sc_bundles>
// kernel: kernel.4.cloned.1.call-start
scs
__scs_entry_jumppad:
0x0: {  	(pc) =	sbr.rel $0x88, $3  }
0x1: {  	(tag) =	ssettag $0x0;
	lr =	simm.s32 $0x1  }
0x2: {  	[smem:$0x3F9F] =	sst lr;
	_ =	strace $0xD0000000  }
0x3: {  	_ = 	snop  }
0x4: {  	_ = 	snop  }
0x5: {  	_ = 	snop  }
0x6: {  	_ = 	snop  }
0x7: {  	_ = 	snop  }
__scs_overlays_trampoline_lowered:
0x8: {  	[smem:$0x3FAE] =	sst s0  }
0x9: {  	[smem:$0x3FAF] =	sst s1  }
0xa: {  	[smem:$0x3FB0] =	sst s2  }
0xb: {  	[smem:$0x3FB1] =	sst s3  }
0xc: {  	[smem:$0x3FB2] =	sst s4  }
0xd: {  	[smem:$0x3FB3] =	sst s5  }
0xe: {  	[smem:$0x3FB4] =	sst s6  }
0xf: {  	[smem:$0x3FB5] =	sst s7  }
0x10: {  	[smem:$0x3FB6] =	sst s8  }
0x11: {  	[smem:$0x3FB7] =	sst s9;
	s0 =	simm.s32 @!p0 $0x0  }
0x12: {  	s1 =	sld [smem:$0x3F9D];
	s0 =	simm.s32 @p0 $0x1  }
0x13: {  	[smem:$0x3FB8] =	sst s0;
	s0 =	simm.s32 @!p1 $0x0  }
0x14: {  	s2 =	sld [smem:$0x3F9C];
	s0 =	simm.s32 @p1 $0x1  }
0x15: {  	[smem:$0x3FB9] =	sst s0;
	s0 =	simm.s32 @!p2 $0x0  }
0x16: {  	s3 =	sld [smem:$0x3FDB];
	s0 =	simm.s32 @p2 $0x1  }
0x17: {  	s4 =	simm.s32 $0x1BF5;
	[smem:$0x3FBB] =	sst s0  }
0x18: {  	s0 =	sld [smem:$0x3F9E];
	_ =	swait.ge [sflag:s4], $0x0  }
0x19: {  	s7 =	sld [smem:$0x3F9F]  }
0x1a: {  	s8 =	sadd.s32 $0xFFFFE003, lr  }
0x1b: {  	s9 =	sadd.s32 $0xFFFFFEF7, lr;
	s5 =	simm.s32 $0xFFFFFFFF;
	p2 =	slt.u32 s8, $0xFFFFF086  }
0x1c: {  	p1 =	slt.u32 s9, $0xF7A;
	s5 =	simm.s32 @!p2 $0x0  }
0x1d: {  	s5 =	simm.s32 @p1 $0x1;
	p0 =	seq.s32 s7, s2  }
0x1e: {  	s7 =	smul.u32 @!p0 $0xF7A, s2;
	p2 =	seq.s32 @!p0 s5, $0x0  }
0x1f: {  	s9 =	smul.u32 $0xF7A, s1;
	s8 =	simm.s32 @!p0 $0x1BF5;
	p2 =	por !p2, p0  }
0x20: {  	[sflag:s8] =	ssyncset.s32 @!p0 $0xFFFFF086;
	s6 =	sadd.s32 @!p0 s3, s7;
	s7 =	simm.s32 @!p0 $0x108  }
0x21: {  	s3 =	sadd.s32 s3, s9;
	s6 =	sadd.s32 @!p0 $0x88, s6;
	s7 =	simm.s32 @p2 $0x1082  }
0x22: {  	[simem:s7], [sflag:s8] =	dma.local @!p0 [hbm:s6], $0xF7A  }
0x23: {  	s9 =	sor.u32 $0xD0000000, s2;
	s6 =	simm.s32 $0x108;
	_ =	swait.ge @!p0 [sflag:s8], $0x0  }
0x24: {  	s3 =	sadd.s32 $0x88, s3;
	s6 =	simm.s32 @!p1 $0x1082;
	[sflag:s4] =	ssyncset.s32 $0xFFFFF086  }
0x25: {  	[simem:s6], [sflag:s4] =	dma.local [hbm:s3], $0xF7A  }
0x26: {  	[smem:$0x3F9F] =	sst s1;
	(tag) =	ssettag s2;
	_ =	strace s9  }
0x27: {  	s1 =	sld [smem:$0x3FAF]  }
0x28: {  	s2 =	sld [smem:$0x3FB0]  }
0x29: {  	s4 =	sld [smem:$0x3FB2]  }
0x2a: {  	p0 =	seq.s32 s5, $0x0;
	s5 =	sld [smem:$0x3FB3]  }
0x2b: {  	s6 =	sld [smem:$0x3FB4]  }
0x2c: {  	s7 =	sld [smem:$0x3FB5]  }
0x2d: {  	s3 =	simm.s32 $0x108;
	s8 =	sld [smem:$0x3FB6]  }
0x2e: {  	s3 =	simm.s32 @!p0 $0x1082;
	s9 =	sld [smem:$0x3FB7]  }
0x2f: {  	lr =	sadd.s32 s0, s3;
	s0 =	sld [smem:$0x3FAE]  }
0x30: {  	s3 =	sld [smem:$0x3FB1]  }
0x31: {  	[smem:$0x3FBA] =	sst s10  }
0x32: {  	s10 =	sld [smem:$0x3FB8];
	_ =	sdelay $0x3  }
0x33: {  	p0 =	seq.s32 s10, $0x1;
	s10 =	sld [smem:$0x3FBA];
	_ =	sdelay $0x3  }
0x34: {  	[smem:$0x3FBA] =	sst s10  }
0x35: {  	s10 =	sld [smem:$0x3FB9];
	_ =	sdelay $0x3  }
0x36: {  	p1 =	seq.s32 s10, $0x1;
	s10 =	sld [smem:$0x3FBA];
	_ =	sdelay $0x3  }
0x37: {  	[smem:$0x3FBA] =	sst s10  }
0x38: {  	s10 =	sld [smem:$0x3FBB]  }
0x39: {  	_ = 	snop;
	(pc) =	sbr.ind lr, $3  }
0x3a: {  	_ = 	snop  }
0x3b: {  	_ = 	snop  }
0x3c: {  	p2 =	seq.s32 s10, $0x1;
	s10 =	sld [smem:$0x3FBA]  }
0x3d: {  	_ =	shalt  }
0x3e: {  	_ =	shalt  }
0x3f: {  	_ =	shalt  }
0x40: {  	_ =	shalt  }
0x41: {  	_ =	shalt  }
0x42: {  	_ =	shalt  }
0x43: {  	_ =	shalt  }
0x44: {  	_ =	shalt  }
0x45: {  	_ =	shalt  }
0x46: {  	_ =	shalt  }
0x47: {  	_ =	shalt  }
0x48: {  	_ =	shalt  }
0x49: {  	_ =	shalt  }
0x4a: {  	_ =	shalt  }
0x4b: {  	_ =	shalt  }
0x4c: {  	_ =	shalt  }
0x4d: {  	_ =	shalt  }
0x4e: {  	_ =	shalt  }
0x4f: {  	_ =	shalt  }
0x50: {  	_ =	shalt  }
0x51: {  	_ =	shalt  }
0x52: {  	_ =	shalt  }
0x53: {  	_ =	shalt  }
0x54: {  	_ =	shalt  }
0x55: {  	_ =	shalt  }
0x56: {  	_ =	shalt  }
0x57: {  	_ =	shalt  }
0x58: {  	_ =	shalt  }
0x59: {  	_ =	shalt  }
0x5a: {  	_ =	shalt  }
0x5b: {  	_ =	shalt  }
0x5c: {  	_ =	shalt  }
0x5d: {  	_ =	shalt  }
0x5e: {  	_ =	shalt  }
0x5f: {  	_ =	shalt  }
0x60: {  	_ =	shalt  }
0x61: {  	_ =	shalt  }
0x62: {  	_ =	shalt  }
0x63: {  	_ =	shalt  }
0x64: {  	_ =	shalt  }
0x65: {  	_ =	shalt  }
0x66: {  	_ =	shalt  }
0x67: {  	_ =	shalt  }
0x68: {  	_ =	shalt  }
0x69: {  	_ =	shalt  }
0x6a: {  	_ =	shalt  }
0x6b: {  	_ =	shalt  }
0x6c: {  	_ =	shalt  }
0x6d: {  	_ =	shalt  }
0x6e: {  	_ =	shalt  }
0x6f: {  	_ =	shalt  }
0x70: {  	_ =	shalt  }
0x71: {  	_ =	shalt  }
0x72: {  	_ =	shalt  }
0x73: {  	_ =	shalt  }
0x74: {  	_ =	shalt  }
0x75: {  	_ =	shalt  }
0x76: {  	_ =	shalt  }
0x77: {  	_ =	shalt  }
0x78: {  	_ =	shalt  }
0x79: {  	_ =	shalt  }
0x7a: {  	_ =	shalt  }
0x7b: {  	_ =	shalt  }
0x7c: {  	_ =	shalt  }
0x7d: {  	_ =	shalt  }
0x7e: {  	_ =	shalt  }
0x7f: {  	_ =	shalt  }
0x80: {  	_ =	shalt  }
0x81: {  	_ =	shalt  }
0x82: {  	_ =	shalt  }
0x83: {  	_ =	shalt  }
0x84: {  	_ =	shalt  }
0x85: {  	_ =	shalt  }
0x86: {  	_ =	shalt  }
0x87: {  	_ =	shalt  }
.Lfunc_end0:
.L_simem_size_0:
called_computation_lowered:
.L_overlay_start_0:
0x88: {  	s2 =	sld [smem:$0x3FD9]  }
0x89: {  	s3 =	sld [smem:$0x3FFE];
	_ =	sdelay $0x1  }
0x8a: {  	s1 =	srdreg.scid  }
0x8b: {  	s0 =	sand.u32 $0x1, s1  }
0x8c: {  	s17 =	sshll.u32 s0, $0xA;
	s2 =	sadd.s32 s3, s2  }
0x8d: {  	s2 =	sadd.s32 s2, s17  }
0x8e: {  	[smem:$0x3FC6] =	sst s2  }
0x8f: {  	_ = 	snop  }
0x90: {  	s2 =	sld [smem:$0x3FC8]  }
0x91: {  	s18 =	sld [smem:$0x3FD0];
	(tm) =	ssettm $0x1  }
0x92: {  	s4 =	sld [smem:$0x3FFB];
	_ =	sdelay $0x3  }
0x93: {  	_ =	strace s4  }
0x94: {  	s4 =	sld [smem:$0x3FFC];
	_ =	sdelay $0x3  }
0x95: {  	_ =	strace s4  }
0x96: {  	s4 =	sld [smem:$0x3FFD];
	_ =	sdelay $0x3  }
0x97: {  	_ =	strace s4  }
0x98: {  	_ =	strace $0x8FFFFFFF  }
0x99: {  	s19 =	sld [smem:$0x3FDB];
	_ =	sdelay $0x1  }
0x9a: {  	s5 =	simm.s32 $_scs_section_size  }
0x9b: {  	s6 =	simm.s32 $_size__tile_overlayer_lowered;
	s7 =	simm.s32 $_tile_overlayer_lowered  }
0x9c: {  	s22 =	simm.s32 $0x1BFF;
	s21 =	sshll.u32 s7, $0x1;
	s4 =	sadd.s32 s5, s19  }
0x9d: {  	s8 =	simm.s32 $0x0;
	s20 =	sshll.u32 s6, $0x1;
	s6 =	sadd.s32 s21, s4  }
0x9e: {  	[timem:s8], [sflag:s22] =	dma.local [hbm:s6], s20  }
0x9f: {  	_ =	swait.ge [sflag:s22], s20  }
0xa0: {  	s5 =	ssub.s32 $0x0, s20;
	[sflag:s22] =	ssyncset.done $0x0  }
0xa1: {  	[sflag:s22] =	ssyncadd.s32 s5;
	_ =	sdelay $0x1  }
0xa2: {  	s23 =	simm.s32 $0x1B8B  }
0xa3: {  	_ =	swait.ge [sflag:s23], $0x1  }
0xa4: {  	[sflag:s23] =	ssyncset.done $0x0  }
0xa5: {  	s25 =	simm.s32 $0x1B8E;
	s24 =	sld [smem:$0x3FFE];
	[sflag:s23] =	ssyncadd.s32 $0xFFFFFFFF  }
0xa6: {  	s26 =	simm.s32 $execute0_lowered;
	[smem:$0x3FD2] =	sst s25  }
0xa7: {  	s6 =	sshll.u32 s26, $0x1;
	_ =	strace $0x80000046;
	[dreg:$0x1] =	wrdreg $0xFFFFFFFF  }
0xa8: {  	s28 =	simm.s32 $_size_execute0_lowered;
	s4 =	sadd.s32 s4, s6;
	[dreg:$0x0] =	wrdreg $0x0  }
0xa9: {  	s6 =	sshll.u32 s28, $0x1;
	[dreg:$0x2] =	wrdreg s4  }
0xaa: {  	[dreg:$0x3] =	wrdreg s6  }
0xab: {  	[dreg:$0x4] =	wrdreg $0xC0  }
0xac: {  	_ =	task [dreg:s8], $0x5FFFF  }
0xad: {  	[dreg:$0x1] =	wrdreg $0xFFFFFFFF  }
0xae: {  	[dreg:$0x0] =	wrdreg $0x60  }
0xaf: {  	[dreg:$0x2] =	wrdreg s24  }
0xb0: {  	[dreg:$0x3] =	wrdreg s2  }
0xb1: {  	[dreg:$0x4] =	wrdreg s18  }
0xb2: {  	[dreg:$0x5] =	wrdreg $0x8C400  }
0xb3: {  	[dreg:$0x6] =	wrdreg $0x9  }
0xb4: {  	_ =	task.clear_ibuf [dreg:s8], $0x7FFFF;
	_ =	strace $0x90000046  }
0xb5: {  	s29 =	simm.s32 $0x9;
	_ =	strace $0x80000048  }
0xb6: {  	_ =	swait.ge [sflag:s29], $0x1  }
0xb7: {  	[sflag:s29] =	ssyncadd.s32 $0xFFFFFFFF  }
0xb8: {  	_ =	strace $0x90000048  }
0xb9: {  	_ =	sfence  }
0xba: {  	s30 =	sld [smem:$0x0];
	_ =	sdelay $0x2  }
0xbb: {  	s31 =	sshll.u32 s1, $0xD;
	s1 =	sshrl.u32 s1, $0x2  }
0xbc: {  	s3 =	sand.u32 $0x4000, s31;
	s1 =	sadd.s32 s1, s30  }
0xbd: {  	s0 =	sor.u32 s3, s0;
	s1 =	sshll.u32 s1, $0x11  }
0xbe: {  	s0 =	sor.u32 s1, s0  }
0xbf: {  	s0 =	sadd.s32 $0x8F2B, s0  }
0xc0: {  	[sflag:s0] =	ssyncadd.remote.s32 $0x1  }
0xc1: {  	_ =	sfence.sel $0xFFFF  }
0xc2: {  	[dreg:$0x0] =	wrdreg $0xFFFFFFFF;
	(pc) =	sbr.abs _section_cstart, $3  }
0xc3: {  	[dreg:$0x1] =	wrdreg $0xFFFFFFFF  }
0xc4: {  	_ =	task.clear_ibuf [dreg:s8], $0x2FFFF;
	_ =	strace $0x9FFFFFFF  }
0xc5: {  	(tm) =	ssettm $0x7FFFFFFF  }
tec
execute0_lowered:
.L_overlay_start_1:
0x0: {  	(tag) =	ssettag $0x1  }
0x1: {  	s1 =	srdreg.scid  }
0x2: {  	s1 =	sand.u32 $0x1, s1  }
0x3: {  	s6 =	rddreg [dreg:$0x0];
	p0 =	seq.s32 s1, $0x1  }
.Ltmp0:
0x4: {  	s2 =	rddreg [dreg:$0x1];
	(pc) =	sbr.rel @p0 .LBB2_8-.Ltmp0, $4  }
0x5: {  	s3 =	rddreg [dreg:$0x2]  }
0x6: {  	s5 =	rddreg [dreg:$0x3];
	s4 =	simm.s32 $0x0  }
0x7: {  	[smem:$0x7FF] =	sst s4  }
0x8: {  	s0 =	rddreg [dreg:$0x4];
	_ =	strace $0x80000047;
	s1 =	stileid.u32  }
0x9: {  	s7 =	sadd.s32 $0x400, s6  }
0xa: {  	s31 =	sshll.u32 s1, $0xA;
	s9 =	sshll.u32 s1, $0x3;
	s10 =	sshll.u32 s1, $0x8  }
0xb: {  	s8 =	sadd.s32 s31, s5;
	s6 =	sadd.s32 s2, s9;
	s7 =	sadd.s32 s7, s10  }
0xc: {  	[tilespmem:s4], [sflag:$0x1] =	stream.linear.gather [hbm4b:s7+s4], $0x800, $0x38;
	[tilespmem:$0x9040] =	vst v63  }
0xd: {  	s7 =	sadd.s32 $0x78, s2;
	s4 =	sshrl.u32 s10, $0x2;
	s2 =	sadd.s32 s3, s9  }
0xe: {  	v0 =	vimm.f32 $0.0e+00;
	s3 =	sadd.s32 $0x78, s3;
	s9 =	simm.s32 $0x0;
	s10 =	simm.s32 $0x200  }
.LBB2_2:
0xf: {  	p0 =	sne.s32 s10, $0xFE00;
	[tilespmem:s9+$0x870] =	vst v0  }
0x10: {  	[tilespmem:s9+$0x800] =	vst v0  }
0x11: {  	[tilespmem:s9+$0x810] =	vst v0  }
.Ltmp1:
0x12: {  	[tilespmem:s9+$0x820] =	vst v0;
	(pc) =	sbr.rel @p0 .LBB2_2-.Ltmp1, $4  }
0x13: {  	[tilespmem:s9+$0x830] =	vst v0  }
0x14: {  	[tilespmem:s9+$0x840] =	vst v0  }
0x15: {  	[tilespmem:s9+$0x850] =	vst v0  }
0x16: {  	[tilespmem:s9+$0x860] =	vst v0;
	s9 =	sshra.s32 s10, $0x2;
	s10 =	sadd.s32 $0x200, s10  }
0x17: {  	[tilespmem:s9+$0x870] =	vst v0  }
0x18: {  	[tilespmem:s9+$0x800] =	vst v0  }
0x19: {  	[tilespmem:s9+$0x810] =	vst v0  }
0x1a: {  	[tilespmem:s9+$0x820] =	vst v0  }
0x1b: {  	[tilespmem:s9+$0x830] =	vst v0  }
0x1c: {  	[tilespmem:s9+$0x840] =	vst v0  }
0x1d: {  	[tilespmem:s9+$0x850] =	vst v0  }
0x1e: {  	[tilespmem:s9+$0x860] =	vst v0;
	s31 =	simm.s32 $0x1  }
0x1f: {  	_ =	swait.ge [sflag:s31], $0x800  }
0x20: {  	v0 =	vlaneseq.u32;
	[sflag:s31] =	ssyncset.done $0x0  }
0x21: {  	s9 =	simm.s32 $0x0;
	v1 =	vimm.f32 $1.000000000e+00;
	s10 =	simm.s32 $0x800;
	v0 =	vmul.u32 $0x400, v0;
	[sflag:s31] =	ssyncadd.s32 $0xFFFFF800  }
.LBB2_4:
0x22: {  	s11 =	sshra.s32 s9, $0x2  }
0x23: {  	v2 =	vld [tilespmem:s11+$0x0];
	_ =	sdelay $0x4  }
0x24: {  	v2 =	vadd.s32 v0, v2;
	_ =	sdelay $0x4  }
0x25: {  	[tilespmem:v2+s10+$0x0] =	vst.idx.add.f32.msk $0xffff, v1  }
0x26: {  	v2 =	vld [tilespmem:s11+$0x10];
	_ =	sdelay $0x4  }
0x27: {  	v2 =	vadd.s32 v0, v2;
	_ =	sdelay $0x4  }
0x28: {  	[tilespmem:v2+s10+$0x0] =	vst.idx.add.f32.msk $0xffff, v1  }
0x29: {  	v2 =	vld [tilespmem:s11+$0x20];
	_ =	sdelay $0x4  }
0x2a: {  	v2 =	vadd.s32 v0, v2;
	_ =	sdelay $0x4  }
0x2b: {  	[tilespmem:v2+s10+$0x0] =	vst.idx.add.f32.msk $0xffff, v1  }
0x2c: {  	v2 =	vld [tilespmem:s11+$0x30];
	_ =	sdelay $0x4  }
0x2d: {  	p0 =	sne.s32 s9, $0x1F00;
	v2 =	vadd.s32 v0, v2  }
.Ltmp2:
0x2e: {  	_ = 	snop;
	(pc) =	sbr.rel @p0 .LBB2_4-.Ltmp2, $2  }
0x2f: {  	_ =	sdelay $0x2  }
0x30: {  	s9 =	sadd.s32 $0x100, s9;
	[tilespmem:v2+s10+$0x0] =	vst.idx.add.f32.msk $0xffff, v1  }
0x31: {  	s10 =	simm.s32 $0x0  }
0x32: {  	v0 =	vld [tilespmem:s10+$0x800]  }
0x33: {  	v1 =	vld [tilespmem:s10+$0xC00];
	_ =	sdelay $0x1  }
0x34: {  	v2 =	vld [tilespmem:s10+$0x1000];
	_ =	sdelay $0x1  }
0x35: {  	v3 =	vld [tilespmem:s10+$0x1400]  }
0x36: {  	v0 =	vadd.f32 v1, v0  }
0x37: {  	v1 =	vld [tilespmem:s10+$0x1800]  }
0x38: {  	v0 =	vadd.f32 v2, v0  }
0x39: {  	v2 =	vld [tilespmem:s10+$0x1C00]  }
0x3a: {  	v0 =	vadd.f32 v3, v0  }
0x3b: {  	v3 =	vld [tilespmem:s10+$0x2000]  }
0x3c: {  	v0 =	vadd.f32 v1, v0  }
0x3d: {  	v1 =	vld [tilespmem:s10+$0x2400]  }
0x3e: {  	s9 =	simm.s32 $0x10;
	v4 =	vld [tilespmem:s10+$0x2800];
	v0 =	vadd.f32 v2, v0  }
0x3f: {  	v5 =	vld [tilespmem:s9+$0x800]  }
0x40: {  	v2 =	vld [tilespmem:s10+$0x2C00];
	v0 =	vadd.f32 v3, v0  }
0x41: {  	v3 =	vld [tilespmem:s9+$0xC00]  }
0x42: {  	v6 =	vld [tilespmem:s9+$0x1000];
	v0 =	vadd.f32 v1, v0  }
0x43: {  	v1 =	vld [tilespmem:s10+$0x3000]  }
0x44: {  	v7 =	vld [tilespmem:s9+$0x1400];
	v0 =	vadd.f32 v4, v0  }
0x45: {  	v4 =	vld [tilespmem:s10+$0x3400]  }
0x46: {  	v3 =	vadd.f32 v3, v5;
	v5 =	vld [tilespmem:s9+$0x1800];
	v0 =	vadd.f32 v2, v0  }
0x47: {  	v2 =	vld [tilespmem:s10+$0x3800]  }
0x48: {  	v3 =	vadd.f32 v6, v3;
	v6 =	vld [tilespmem:s9+$0x1C00];
	v0 =	vadd.f32 v1, v0  }
0x49: {  	v1 =	vld [tilespmem:s10+$0x3C00]  }
0x4a: {  	v8 =	vld [tilespmem:s9+$0x2000];
	v3 =	vadd.f32 v7, v3;
	v0 =	vadd.f32 v4, v0  }
0x4b: {  	v7 =	vld [tilespmem:s10+$0x4000]  }
0x4c: {  	v4 =	vadd.f32 v5, v3;
	v3 =	vld [tilespmem:s9+$0x2400];
	v5 =	vadd.f32 v2, v0  }
0x4d: {  	v2 =	vld [tilespmem:s10+$0x4400]  }
0x4e: {  	v0 =	vld [tilespmem:s9+$0x2C00];
	v6 =	vadd.f32 v6, v4;
	v9 =	vadd.f32 v1, v5  }
0x4f: {  	s11 =	simm.s32 $0x20;
	v4 =	vld [tilespmem:s9+$0x2800]  }
0x50: {  	s12 =	simm.s32 $0xC0;
	v1 =	vld [tilespmem:s11+$0x800];
	v5 =	vadd.f32 v8, v6;
	v6 =	vadd.f32 v7, v9  }
.LBB2_6:
0x51: {  	p0 =	sne.s32 s12, $0xFC0;
	v7 =	vld [tilespmem:s11+$0xC00]  }
0x52: {  	v3 =	vadd.f32 v3, v5;
	v5 =	vld [tilespmem:s9+$0x3000];
	v2 =	vadd.f32 v2, v6  }
0x53: {  	v6 =	vld [tilespmem:s11+$0x1000]  }
0x54: {  	v3 =	vadd.f32 v4, v3;
	v4 =	vld [tilespmem:s9+$0x3400];
	[tilespmem:s10+$0x4800] =	vst v2;
	s10 =	smov.u32 s9;
	s9 =	smov.u32 s11  }
0x55: {  	v2 =	vld [tilespmem:s9+$0x1400]  }
0x56: {  	v1 =	vadd.f32 v7, v1;
	v0 =	vadd.f32 v0, v3;
	v3 =	vld [tilespmem:s10+$0x3800]  }
0x57: {  	v7 =	vld [tilespmem:s9+$0x1800]  }
0x58: {  	v1 =	vadd.f32 v6, v1;
	v0 =	vadd.f32 v5, v0;
	v5 =	vld [tilespmem:s10+$0x3C00]  }
0x59: {  	v6 =	vld [tilespmem:s9+$0x1C00]  }
0x5a: {  	v1 =	vadd.f32 v2, v1;
	v0 =	vadd.f32 v4, v0;
	v8 =	vld [tilespmem:s10+$0x4000]  }
0x5b: {  	v9 =	vld [tilespmem:s9+$0x2000]  }
.Ltmp3:
0x5c: {  	v1 =	vadd.f32 v7, v1;
	v4 =	vadd.f32 v3, v0;
	v2 =	vld [tilespmem:s10+$0x4400];
	(pc) =	sbr.rel @p0 .LBB2_6-.Ltmp3, $4  }
0x5d: {  	v3 =	vld [tilespmem:s9+$0x2400]  }
0x5e: {  	v6 =	vadd.f32 v6, v1;
	v0 =	vld [tilespmem:s9+$0x2C00];
	v7 =	vadd.f32 v5, v4  }
0x5f: {  	s11 =	sshra.s32 s12, $0x2;
	v4 =	vld [tilespmem:s9+$0x2800]  }
0x60: {  	s12 =	sadd.s32 $0x40, s12;
	v1 =	vld [tilespmem:s11+$0x800];
	v5 =	vadd.f32 v9, v6;
	v6 =	vadd.f32 v8, v7  }
0x61: {  	v7 =	vld [tilespmem:s11+$0xC00]  }
0x62: {  	v8 =	vld [tilespmem:s9+$0x3000];
	v2 =	vadd.f32 v2, v6  }
0x63: {  	v36 =	vld [tilespmem:s11+$0x1000]  }
0x64: {  	v9 =	vld [tilespmem:s9+$0x3400];
	v3 =	vadd.f32 v3, v5;
	[tilespmem:s10+$0x4800] =	vst v2  }
0x65: {  	v2 =	vld [tilespmem:s11+$0x1400]  }
0x66: {  	v3 =	vadd.f32 v4, v3;
	v1 =	vadd.f32 v7, v1  }
0x67: {  	v37 =	vld [tilespmem:s11+$0x1800]  }
0x68: {  	v38 =	vld [tilespmem:s9+$0x3800];
	v0 =	vadd.f32 v0, v3;
	v1 =	vadd.f32 v36, v1  }
0x69: {  	v39 =	vld [tilespmem:s11+$0x1C00]  }
0x6a: {  	v40 =	vld [tilespmem:s9+$0x3C00];
	v0 =	vadd.f32 v8, v0;
	v1 =	vadd.f32 v2, v1  }
0x6b: {  	v41 =	vld [tilespmem:s11+$0x2000]  }
0x6c: {  	v42 =	vld [tilespmem:s9+$0x4000];
	v0 =	vadd.f32 v9, v0;
	v1 =	vadd.f32 v37, v1  }
0x6d: {  	v43 =	vld [tilespmem:s11+$0x2400]  }
0x6e: {  	v44 =	vld [tilespmem:s9+$0x4400];
	v0 =	vadd.f32 v38, v0;
	v1 =	vadd.f32 v39, v1  }
0x6f: {  	v45 =	vld [tilespmem:s11+$0x2800]  }
0x70: {  	v0 =	vadd.f32 v40, v0;
	v1 =	vadd.f32 v41, v1  }
0x71: {  	v46 =	vld [tilespmem:s11+$0x2C00]  }
0x72: {  	v0 =	vadd.f32 v42, v0;
	v1 =	vadd.f32 v43, v1  }
0x73: {  	v47 =	vld [tilespmem:s11+$0x3000]  }
0x74: {  	v0 =	vadd.f32 v44, v0;
	v1 =	vadd.f32 v45, v1  }
0x75: {  	v48 =	vld [tilespmem:s11+$0x3400]  }
0x76: {  	[tilespmem:s9+$0x4800] =	vst v0;
	v49 =	vadd.f32 v46, v1  }
0x77: {  	v50 =	vld [tilespmem:s11+$0x3800]  }
0x78: {  	v0 =	vadd.f32 v47, v49  }
0x79: {  	v51 =	vld [tilespmem:s11+$0x3C00]  }
0x7a: {  	v0 =	vadd.f32 v48, v0  }
0x7b: {  	v52 =	vld [tilespmem:s11+$0x4000]  }
0x7c: {  	v0 =	vadd.f32 v50, v0  }
0x7d: {  	v53 =	vld [tilespmem:s11+$0x4400]  }
0x7e: {  	v0 =	vadd.f32 v51, v0;
	_ =	sdelay $0x1  }
0x7f: {  	v0 =	vadd.f32 v52, v0;
	_ =	sdelay $0x1  }
0x80: {  	v0 =	vadd.f32 v53, v0;
	_ =	sdelay $0x1  }
0x81: {  	s29 =	simm.s32 $0x4800;
	s30 =	simm.s32 $0x2;
	[tilespmem:s11+$0x4800] =	vst v0  }
0x82: {  	[spmem:s8] =	stream.linear.scatter [tilespmem:s29], [sflag:$0x2], $0x400, $0x38;
	[tilespmem:$0x9040] =	vst v63  }
0x83: {  	_ =	swait.ge [sflag:s30], $0x400  }
0x84: {  	[sflag:s30] =	ssyncset.done $0x0  }
0x85: {  	[sflag:s30] =	ssyncadd.s32 $0xFFFFFC00  }
0x86: {  	s31 =	simm.s32 $0x4C00;
	[bflag:$0x0] =	sbarrier.arrive $0xFFFF  }
0x87: {  	[tilespmem:s31], [sflag:$0x2] =	stream.linear.gather [spmem:s5], $0x4000, $0x38;
	[tilespmem:$0x9040] =	vst v63  }
0x88: {  	_ =	swait.ge [sflag:s30], $0x4000  }
0x89: {  	p0 =	seq.s32 s1, $0xF;
	[sflag:s30] =	ssyncset.done $0x0  }
0x8a: {  	v0 =	vimm.f32 @p0 $0.0e+00;
	[sflag:s30] =	ssyncadd.s32 $0xFFFFC000  }
0x8b: {  	[tilespmem:$0x8C28] =	vst @p0 v0  }
0x8c: {  	s8 =	simm.s32 @p0 $0x8C00;
	s5 =	simm.s32 @p0 $0x0;
	[tilespmem:$0x8C30] =	vst @p0 v0  }
0x8d: {  	[tilespmem:s8], [sflag:$0x2] =	stream.linear.gather @p0 [hbm4b:s7+s5], $0x28, $0x38;
	[tilespmem:$0x9040] =	vst v63  }
0x8e: {  	s7 =	simm.s32 @p0 $0x2  }
0x8f: {  	_ =	swait.ge @p0 [sflag:s7], $0x28  }
0x90: {  	[sflag:s7] =	ssyncset.done @p0 $0x0  }
0x91: {  	s10 =	simm.s32 @!p0 $0x8C00;
	s9 =	simm.s32 @!p0 $0x0;
	[sflag:s7] =	ssyncadd.s32 @p0 $0xFFFFFFD8  }
0x92: {  	[tilespmem:s10], [sflag:$0x2] =	stream.linear.gather @!p0 [hbm4b:s6+s9], $0x40, $0x38;
	[tilespmem:$0x9040] =	vst v63  }
0x93: {  	s6 =	simm.s32 @!p0 $0x2  }
0x94: {  	_ =	swait.ge @!p0 [sflag:s6], $0x40  }
0x95: {  	[sflag:s6] =	ssyncset.done @!p0 $0x0  }
0x96: {  	[sflag:s6] =	ssyncadd.s32 @!p0 $0xFFFFFFC0  }
0x97: {  	v54 =	vld [tilespmem:$0x8C00]  }
0x98: {  	v55 =	vld [tilespmem:s4+$0x4C00];
	_ =	sdelay $0x1  }
0x99: {  	v56 =	vld [tilespmem:s4+$0x5000];
	_ =	sdelay $0x1  }
0x9a: {  	v57 =	vld [tilespmem:s4+$0x5400]  }
0x9b: {  	v0 =	vadd.f32 v55, v54  }
0x9c: {  	v58 =	vld [tilespmem:s4+$0x5800]  }
0x9d: {  	v0 =	vadd.f32 v56, v0  }
0x9e: {  	v59 =	vld [tilespmem:s4+$0x5C00]  }
0x9f: {  	v0 =	vadd.f32 v57, v0  }
0xa0: {  	v60 =	vld [tilespmem:s4+$0x6000]  }
0xa1: {  	v0 =	vadd.f32 v58, v0  }
0xa2: {  	v61 =	vld [tilespmem:s4+$0x6400]  }
0xa3: {  	v0 =	vadd.f32 v59, v0  }
0xa4: {  	v62 =	vld [tilespmem:s4+$0x6800]  }
0xa5: {  	v0 =	vadd.f32 v60, v0  }
0xa6: {  	v63 =	vld [tilespmem:s4+$0x6C00]  }
0xa7: {  	v0 =	vadd.f32 v61, v0  }
0xa8: {  	v6 =	vld [tilespmem:s4+$0x7000]  }
0xa9: {  	v0 =	vadd.f32 v62, v0  }
0xaa: {  	v7 =	vld [tilespmem:s4+$0x7400]  }
0xab: {  	v0 =	vadd.f32 v63, v0  }
0xac: {  	v8 =	vld [tilespmem:s4+$0x7800]  }
0xad: {  	v0 =	vadd.f32 v6, v0  }
0xae: {  	v9 =	vld [tilespmem:s4+$0x7C00]  }
0xaf: {  	v0 =	vadd.f32 v7, v0  }
0xb0: {  	v10 =	vld [tilespmem:s4+$0x8000]  }
0xb1: {  	v0 =	vadd.f32 v8, v0  }
0xb2: {  	v11 =	vld [tilespmem:s4+$0x8400]  }
0xb3: {  	v0 =	vadd.f32 v9, v0  }
0xb4: {  	v12 =	vld [tilespmem:s4+$0x8800]  }
0xb5: {  	v0 =	vadd.f32 v10, v0;
	_ =	sdelay $0x1  }
0xb6: {  	v0 =	vadd.f32 v11, v0;
	_ =	sdelay $0x1  }
0xb7: {  	v0 =	vadd.f32 v12, v0;
	_ =	sdelay $0x1  }
0xb8: {  	v13 =	vld [tilespmem:$0x8C10];
	[tilespmem:$0x8C00] =	vst v0  }
0xb9: {  	v14 =	vld [tilespmem:s4+$0x4C10];
	_ =	sdelay $0x1  }
0xba: {  	v15 =	vld [tilespmem:s4+$0x5010];
	_ =	sdelay $0x1  }
0xbb: {  	v16 =	vld [tilespmem:s4+$0x5410]  }
0xbc: {  	v0 =	vadd.f32 v14, v13  }
0xbd: {  	v17 =	vld [tilespmem:s4+$0x5810]  }
0xbe: {  	v0 =	vadd.f32 v15, v0  }
0xbf: {  	v18 =	vld [tilespmem:s4+$0x5C10]  }
0xc0: {  	v0 =	vadd.f32 v16, v0  }
0xc1: {  	v19 =	vld [tilespmem:s4+$0x6010]  }
0xc2: {  	v0 =	vadd.f32 v17, v0  }
0xc3: {  	v20 =	vld [tilespmem:s4+$0x6410]  }
0xc4: {  	v0 =	vadd.f32 v18, v0  }
0xc5: {  	v21 =	vld [tilespmem:s4+$0x6810]  }
0xc6: {  	v0 =	vadd.f32 v19, v0  }
0xc7: {  	v22 =	vld [tilespmem:s4+$0x6C10]  }
0xc8: {  	v0 =	vadd.f32 v20, v0  }
0xc9: {  	v23 =	vld [tilespmem:s4+$0x7010]  }
0xca: {  	v0 =	vadd.f32 v21, v0  }
0xcb: {  	v24 =	vld [tilespmem:s4+$0x7410]  }
0xcc: {  	v0 =	vadd.f32 v22, v0  }
0xcd: {  	v25 =	vld [tilespmem:s4+$0x7810]  }
0xce: {  	v0 =	vadd.f32 v23, v0  }
0xcf: {  	v26 =	vld [tilespmem:s4+$0x7C10]  }
0xd0: {  	v0 =	vadd.f32 v24, v0  }
0xd1: {  	v27 =	vld [tilespmem:s4+$0x8010]  }
0xd2: {  	v0 =	vadd.f32 v25, v0  }
0xd3: {  	v28 =	vld [tilespmem:s4+$0x8410]  }
0xd4: {  	v0 =	vadd.f32 v26, v0  }
0xd5: {  	v29 =	vld [tilespmem:s4+$0x8810]  }
0xd6: {  	v0 =	vadd.f32 v27, v0;
	_ =	sdelay $0x1  }
0xd7: {  	v0 =	vadd.f32 v28, v0;
	_ =	sdelay $0x1  }
0xd8: {  	v0 =	vadd.f32 v29, v0;
	_ =	sdelay $0x1  }
0xd9: {  	v30 =	vld [tilespmem:$0x8C20];
	[tilespmem:$0x8C10] =	vst v0  }
0xda: {  	v31 =	vld [tilespmem:s4+$0x4C20];
	_ =	sdelay $0x1  }
0xdb: {  	v32 =	vld [tilespmem:s4+$0x5020];
	_ =	sdelay $0x1  }
0xdc: {  	v33 =	vld [tilespmem:s4+$0x5420]  }
0xdd: {  	v0 =	vadd.f32 v31, v30  }
0xde: {  	v34 =	vld [tilespmem:s4+$0x5820]  }
0xdf: {  	v0 =	vadd.f32 v32, v0  }
0xe0: {  	v35 =	vld [tilespmem:s4+$0x5C20]  }
0xe1: {  	v0 =	vadd.f32 v33, v0  }
0xe2: {  	v36 =	vld [tilespmem:s4+$0x6020]  }
0xe3: {  	v0 =	vadd.f32 v34, v0  }
0xe4: {  	v37 =	vld [tilespmem:s4+$0x6420]  }
0xe5: {  	v0 =	vadd.f32 v35, v0  }
0xe6: {  	v38 =	vld [tilespmem:s4+$0x6820]  }
0xe7: {  	v0 =	vadd.f32 v36, v0  }
0xe8: {  	v39 =	vld [tilespmem:s4+$0x6C20]  }
0xe9: {  	v0 =	vadd.f32 v37, v0  }
0xea: {  	v40 =	vld [tilespmem:s4+$0x7020]  }
0xeb: {  	v0 =	vadd.f32 v38, v0  }
0xec: {  	v41 =	vld [tilespmem:s4+$0x7420]  }
0xed: {  	v0 =	vadd.f32 v39, v0  }
0xee: {  	v42 =	vld [tilespmem:s4+$0x7820]  }
0xef: {  	v0 =	vadd.f32 v40, v0  }
0xf0: {  	v43 =	vld [tilespmem:s4+$0x7C20]  }
0xf1: {  	v0 =	vadd.f32 v41, v0  }
0xf2: {  	v44 =	vld [tilespmem:s4+$0x8020]  }
0xf3: {  	v0 =	vadd.f32 v42, v0  }
0xf4: {  	v45 =	vld [tilespmem:s4+$0x8420]  }
0xf5: {  	v0 =	vadd.f32 v43, v0  }
0xf6: {  	v46 =	vld [tilespmem:s4+$0x8820]  }
0xf7: {  	v0 =	vadd.f32 v44, v0;
	_ =	sdelay $0x1  }
0xf8: {  	v0 =	vadd.f32 v45, v0;
	_ =	sdelay $0x1  }
0xf9: {  	v0 =	vadd.f32 v46, v0;
	_ =	sdelay $0x1  }
0xfa: {  	v47 =	vld [tilespmem:$0x8C30];
	[tilespmem:$0x8C20] =	vst v0  }
0xfb: {  	v48 =	vld [tilespmem:s4+$0x4C30];
	_ =	sdelay $0x1  }
0xfc: {  	v49 =	vld [tilespmem:s4+$0x5030];
	_ =	sdelay $0x1  }
0xfd: {  	v50 =	vld [tilespmem:s4+$0x5430]  }
0xfe: {  	v0 =	vadd.f32 v48, v47  }
0xff: {  	v51 =	vld [tilespmem:s4+$0x5830]  }
0x100: {  	v0 =	vadd.f32 v49, v0  }
0x101: {  	v52 =	vld [tilespmem:s4+$0x5C30]  }
0x102: {  	v0 =	vadd.f32 v50, v0  }
0x103: {  	v53 =	vld [tilespmem:s4+$0x6030]  }
0x104: {  	v0 =	vadd.f32 v51, v0  }
0x105: {  	v54 =	vld [tilespmem:s4+$0x6430]  }
0x106: {  	v0 =	vadd.f32 v52, v0  }
0x107: {  	v55 =	vld [tilespmem:s4+$0x6830]  }
0x108: {  	v0 =	vadd.f32 v53, v0  }
0x109: {  	v56 =	vld [tilespmem:s4+$0x6C30]  }
0x10a: {  	v0 =	vadd.f32 v54, v0  }
0x10b: {  	v57 =	vld [tilespmem:s4+$0x7030]  }
0x10c: {  	v0 =	vadd.f32 v55, v0  }
0x10d: {  	v58 =	vld [tilespmem:s4+$0x7430]  }
0x10e: {  	v0 =	vadd.f32 v56, v0  }
0x10f: {  	v59 =	vld [tilespmem:s4+$0x7830]  }
0x110: {  	v0 =	vadd.f32 v57, v0  }
0x111: {  	v60 =	vld [tilespmem:s4+$0x7C30]  }
0x112: {  	v0 =	vadd.f32 v58, v0  }
0x113: {  	v61 =	vld [tilespmem:s4+$0x8030]  }
0x114: {  	v0 =	vadd.f32 v59, v0  }
0x115: {  	v62 =	vld [tilespmem:s4+$0x8430]  }
0x116: {  	v0 =	vadd.f32 v60, v0  }
0x117: {  	v63 =	vld [tilespmem:s4+$0x8830]  }
0x118: {  	v0 =	vadd.f32 v61, v0;
	_ =	sdelay $0x1  }
0x119: {  	v0 =	vadd.f32 v62, v0;
	_ =	sdelay $0x1  }
0x11a: {  	v0 =	vadd.f32 v63, v0;
	_ =	sdelay $0x1  }
0x11b: {  	[tilespmem:$0x8C30] =	vst v0  }
0x11c: {  	[hbm4b:s3+s5] =	stream.linear.scatter @p0 [tilespmem:s8], [sflag:$0x2], $0x28, $0x38;
	[tilespmem:$0x9040] =	vst v63  }
0x11d: {  	_ =	swait.ge @p0 [sflag:s7], $0x28  }
0x11e: {  	[sflag:s7] =	ssyncset.done @p0 $0x0  }
0x11f: {  	[sflag:s7] =	ssyncadd.s32 @p0 $0xFFFFFFD8  }
0x120: {  	[hbm4b:s2+s9] =	stream.linear.scatter @!p0 [tilespmem:s10], [sflag:$0x2], $0x40, $0x38;
	[tilespmem:$0x9040] =	vst v63  }
0x121: {  	_ =	swait.ge @!p0 [sflag:s6], $0x40  }
0x122: {  	[sflag:s6] =	ssyncset.done @!p0 $0x0  }
0x123: {  	[sflag:s6] =	ssyncadd.s32 @!p0 $0xFFFFFFC0  }
.LBB2_8:
0x124: {  	_ =	sfence.sel $0x180000  }
0x125: {  	[bflag:$0x0] =	sbarrier.arrive $0xFFFF  }
0x126: {  	p0 =	sne.s32 s1, $0x0;
	_ =	strace $0x90000047  }
0x127: {  	s0 =	sadd.s32 @!p0 $0x100000, s0;
	[bflag:$0x2] =	sbarrier.arrive $0xFFFF  }
0x128: {  	[sflag:s0] =	ssyncadd.tile.s32 @!p0 $0x1;
	_ =	shalt  }
.Lfunc_end2:
_tile_overlayer_lowered:
.L_overlay_start_2:
0x129: {  	(tag) =	ssettag $0x2  }
0x12a: {  	s0 =	rddreg [dreg:$0x0];
	s2 =	stileid.u32  }
0x12b: {  	s1 =	rddreg [dreg:$0x1];
	p0 =	sne.s32 s2, $0x0  }
0x12c: {  	s3 =	rddreg [dreg:$0x2];
	[bflag:$0x3] =	sbarrier.arrive $0xFFFF;
	s2 =	simm.s32 @!p0 $0x1C02  }
0x12d: {  	[timem:s3], [sflag:s2] =	dma.local @!p0 [hbm:s0], s1  }
0x12e: {  	s0 =	simm.s32 @!p0 $0x2  }
0x12f: {  	_ =	swait.ge @!p0 [sflag:s0], s1  }
0x130: {  	s1 =	ssub.s32 @!p0 $0x0, s1;
	[sflag:s0] =	ssyncset.done @!p0 $0x0  }
0x131: {  	[sflag:s0] =	ssyncadd.s32 @!p0 s1  }
0x132: {  	[bflag:$0x3] =	sbarrier.arrive $0xFFFF  }
0x133: {  	_ =	shalt  }

</sc_bundles>
